<compile_context>
chip_gen: v7x
topology: tpu7x:2x2x1
jax: 0.10.2.dev20260603
libtpu: 0.0.44.dev20260713+nightly
codegen_flags: <defaults>
</compile_context>

<pallas_src>
import functools

import jax
import jax.numpy as jnp
from jax import lax
from jax.experimental import pallas as pl
from jax.experimental.pallas import tpu as pltpu
from jax.experimental.pallas import tpu_sc as plsc

DIM = 128
NC, NS = 2, 16
NW = NC * NS
CHUNK = 80
B_TOTAL = 4096 * 50
B_PER_W = B_TOTAL // NW
NSTEP = B_PER_W // CHUNK
NBUF = 5

_mesh = plsc.VectorSubcoreMesh(core_axis_name="c", subcore_axis_name="s")


@functools.partial(
    pl.kernel,
    out_type=jax.ShapeDtypeStruct((B_TOTAL, DIM), jnp.float32),
    mesh=_mesh,
    scratch_types=[
        pltpu.VMEM((NSTEP, CHUNK), jnp.int32),
        pltpu.VMEM((NBUF, CHUNK, DIM), jnp.float32),
        pltpu.VMEM_SHARED((8192, DIM), jnp.float32),
        [pltpu.SemaphoreType.DMA] * NBUF,
        [pltpu.SemaphoreType.DMA] * NBUF,
        pltpu.SemaphoreType.DMA,
    ],
)
def _gather(enc_hbm, pos_hbm, out_hbm, idx_v, rows_v, enc_sh, gsem, ssem, stsem):
    wid = lax.axis_index("s") * NC + lax.axis_index("c")
    base = wid * B_PER_W

    sid = lax.axis_index("s")
    stage = 8192 // NS
    staging = pltpu.async_copy(enc_hbm.at[pl.ds(sid * stage, stage)],
                               enc_sh.at[pl.ds(sid * stage, stage)], stsem)
    pltpu.sync_copy(pos_hbm.at[wid], idx_v)
    staging.wait()
    plsc.subcore_barrier()

    def sg(j, b):
        pltpu.async_copy(enc_sh.at[idx_v.at[j]], rows_v.at[b], gsem[b])

    def wg(j, b):
        pltpu.make_async_copy(enc_sh.at[idx_v.at[j]], rows_v.at[b], gsem[b]).wait()

    def out_slice(j):
        return out_hbm.at[pl.ds(base + j * CHUNK, CHUNK)]

    def ss(j, b):
        pltpu.async_copy(rows_v.at[b], out_slice(j), ssem[b])

    def ws(j, b):
        pltpu.make_async_copy(rows_v.at[b], out_slice(j), ssem[b]).wait()

    sg(0, 0)
    sg(1, 1)

    for j in range(NBUF):
        bb = (j + 2) % NBUF
        if j + 2 >= NBUF:
            ws(j + 2 - NBUF, bb)
        sg(j + 2, bb)
        wg(j, j % NBUF)
        ss(j, j % NBUF)

    NSTEADY = ((NSTEP - NBUF - 2) // NBUF) * NBUF

    @pl.loop(NBUF, NBUF + NSTEADY, step=NBUF)
    def _(t):
        for b in range(NBUF):
            j = t + b
            bb = (b + 2) % NBUF
            ws(j + 2 - NBUF, bb)
            sg(j + 2, bb)
            wg(j, b)
            ss(j, b)

    for j in range(NBUF + NSTEADY, NSTEP):
        b = j % NBUF
        bb = (b + 2) % NBUF
        if j + 2 < NSTEP:
            ws(j + 2 - NBUF, bb)
            sg(j + 2, bb)
        wg(j, b)
        ss(j, b)

    for j in range(NSTEP - NBUF, NSTEP):
        ws(j, j % NBUF)


def kernel(positions, encodings):
    pos = positions.reshape(NW, NSTEP, CHUNK)
    out = _gather(encodings, pos)
    return out.reshape(4096, 1, 50, DIM)

# --- scband reference (transcript-rebuilt; emitter-appended) ---
"""Pipeline reference for scband-positional-encoding-13108240188132 (READ-ONLY COPY).

The authoritative reference and input builder live on the scoring server;
editing this copy changes nothing except your own understanding.
"""

import jax, jax.numpy as jnp
import numpy as np
import math

DIM = 128
MAX_LENGTH = 8192

def _build_encodings():
    position = np.arange(0, MAX_LENGTH, dtype=np.float32)[:, None]
    div_term = np.exp(np.arange(0, DIM, 2).astype(np.float32) * (-math.log(10000.0) / DIM))
    enc = np.zeros((MAX_LENGTH, DIM), dtype=np.float32)
    enc[:, 0::2] = np.sin(position * div_term)
    enc[:, 1::2] = np.cos(position * div_term)
    return jnp.asarray(enc)

def setup_inputs(seed: int = 0) -> dict:
    key = jax.random.key(seed)
    positions = jax.random.randint(key, (4096, 50), 0, MAX_LENGTH, dtype=jnp.int64 if jax.config.jax_enable_x64 else jnp.int32)
    encodings = _build_encodings()
    return {"positions": positions, "encodings": encodings}

def reference(positions, encodings):
    # out = self.encodings[positions]; dropout_p=0 -> identity; batch_first=False -> unsqueeze(1)
    out = jnp.take(encodings, positions, axis=0)
    return jnp.expand_dims(out, 1)

if __name__ == "__main__":
    import jax
    _d = setup_inputs()
    print(jax.jit(kernel)(*tuple(_d.values())))

</pallas_src>

<mosaic_0001>
#map = affine_map<(d0, d1) -> (0, 0)>
#map1 = affine_map<(d0, d1) -> (0, 0, 0)>
module attributes {stable_mosaic.version = 14 : i64} {
  func.func @_gather(%arg0: i32, %arg1: i32, %arg2: memref<8192x128xf32, #tpu.memory_space<hbm>>, %arg3: memref<32x80x80xi32, #tpu.memory_space<hbm>>, %arg4: memref<204800x128xf32, #tpu.memory_space<hbm>>, %arg5: memref<80x80xi32, #tpu.memory_space<vmem>>, %arg6: memref<5x80x128xf32, #tpu.memory_space<vmem>>, %arg7: memref<8192x128xf32, #tpu.memory_space<vmem_shared>>, %arg8: memref<!tpu.dma_semaphore, #tpu.memory_space<semaphore_mem>>, %arg9: memref<!tpu.dma_semaphore, #tpu.memory_space<semaphore_mem>>, %arg10: memref<!tpu.dma_semaphore, #tpu.memory_space<semaphore_mem>>, %arg11: memref<!tpu.dma_semaphore, #tpu.memory_space<semaphore_mem>>, %arg12: memref<!tpu.dma_semaphore, #tpu.memory_space<semaphore_mem>>, %arg13: memref<!tpu.dma_semaphore, #tpu.memory_space<semaphore_mem>>, %arg14: memref<!tpu.dma_semaphore, #tpu.memory_space<semaphore_mem>>, %arg15: memref<!tpu.dma_semaphore, #tpu.memory_space<semaphore_mem>>, %arg16: memref<!tpu.dma_semaphore, #tpu.memory_space<semaphore_mem>>, %arg17: memref<!tpu.dma_semaphore, #tpu.memory_space<semaphore_mem>>, %arg18: memref<!tpu.dma_semaphore, #tpu.memory_space<semaphore_mem>>) attributes {dimension_semantics = [#tpu.dimension_semantics<core_parallel>, #tpu.dimension_semantics<subcore_parallel>], iteration_bounds = array<i64: 2, 16>, scalar_prefetch = 0 : i64, scratch_operands = 14 : i64, tpu.core_type = #tpu.core_type<sc_vector_subcore>, window_params = [{transform_indices = #map}, {transform_indices = #map1}, {transform_indices = #map}]} {
    %mul3A = arith.constant 2 : i32
    %mul3A_0 = arith.muli %arg1, %mul3A : i32
    %add3A = arith.addi %mul3A_0, %arg0 : i32
    %mul3A_1 = arith.constant 6400 : i32
    %mul3A_2 = arith.muli %add3A, %mul3A_1 : i32
    %mul3A_3 = arith.constant 512 : i32
    %mul3A_4 = arith.muli %arg1, %mul3A_3 : i32
    %mul3A_5 = arith.constant 512 : i32
    %mul3A_6 = arith.muli %arg1, %mul3A_5 : i32
    %dma_start3A = arith.constant 0 : i32
    %dma_start3A_7 = tpu.memref_slice %arg7[%mul3A_6, %dma_start3A] : memref<8192x128xf32, #tpu.memory_space<vmem_shared>> -> memref<512x128xf32, #tpu.memory_space<vmem_shared>>
    %dma_start3A_8 = arith.constant 0 : i32
    %dma_start3A_9 = tpu.memref_slice %arg2[%mul3A_4, %dma_start3A_8] : memref<8192x128xf32, #tpu.memory_space<hbm>> -> memref<512x128xf32, #tpu.memory_space<hbm>>
    tpu.enqueue_dma source(%dma_start3A_9 : memref<512x128xf32, #tpu.memory_space<hbm>>) target(%dma_start3A_7 : memref<512x128xf32, #tpu.memory_space<vmem_shared>>) target_semaphore(%arg18 : memref<!tpu.dma_semaphore, #tpu.memory_space<semaphore_mem>>)
    "tpu.region"() ({
      %run_scoped3A = tpu.sem_alloc : memref<!tpu.dma_semaphore, #tpu.memory_space<semaphore_mem>>
      %dma_start3A_557 = arith.constant 0 : i32
      %dma_start3A_558 = arith.constant 0 : i32
      %dma_start3A_559 = tpu.memref_slice %arg3[%add3A, %dma_start3A_557, %dma_start3A_558] : memref<32x80x80xi32, #tpu.memory_space<hbm>> -> memref<1x80x80xi32, #tpu.memory_space<hbm>>
      %dma_start3A_560 = tpu.memref_squeeze %dma_start3A_559 : memref<1x80x80xi32, #tpu.memory_space<hbm>> -> memref<80x80xi32, #tpu.memory_space<hbm>>
      %dma_start3A_561 = arith.constant 0 : i32
      %dma_start3A_562 = arith.constant 0 : i32
      %dma_start3A_563 = tpu.memref_slice %arg3[%add3A, %dma_start3A_561, %dma_start3A_562] : memref<32x80x80xi32, #tpu.memory_space<hbm>> -> memref<1x80x80xi32, #tpu.memory_space<hbm>>
      %dma_start3A_564 = tpu.memref_squeeze %dma_start3A_563 : memref<1x80x80xi32, #tpu.memory_space<hbm>> -> memref<80x80xi32, #tpu.memory_space<hbm>>
      tpu.enqueue_dma source(%dma_start3A_564 : memref<80x80xi32, #tpu.memory_space<hbm>>) target(%arg5 : memref<80x80xi32, #tpu.memory_space<vmem>>) target_semaphore(%run_scoped3A : memref<!tpu.dma_semaphore, #tpu.memory_space<semaphore_mem>>)
      %dma_wait3A_565 = arith.constant 0 : i32
      %dma_wait3A_566 = arith.constant 0 : i32
      %dma_wait3A_567 = tpu.memref_slice %arg3[%add3A, %dma_wait3A_565, %dma_wait3A_566] : memref<32x80x80xi32, #tpu.memory_space<hbm>> -> memref<1x80x80xi32, #tpu.memory_space<hbm>>
      %dma_wait3A_568 = tpu.memref_squeeze %dma_wait3A_567 : memref<1x80x80xi32, #tpu.memory_space<hbm>> -> memref<80x80xi32, #tpu.memory_space<hbm>>
      %dma_wait3A_569 = arith.constant 0 : i32
      %dma_wait3A_570 = arith.constant 0 : i32
      %dma_wait3A_571 = tpu.memref_slice %arg3[%add3A, %dma_wait3A_569, %dma_wait3A_570] : memref<32x80x80xi32, #tpu.memory_space<hbm>> -> memref<1x80x80xi32, #tpu.memory_space<hbm>>
      %dma_wait3A_572 = tpu.memref_squeeze %dma_wait3A_571 : memref<1x80x80xi32, #tpu.memory_space<hbm>> -> memref<80x80xi32, #tpu.memory_space<hbm>>
      tpu.wait_dma2 semaphore(%run_scoped3A : memref<!tpu.dma_semaphore, #tpu.memory_space<semaphore_mem>>) src(%dma_wait3A_572 : memref<80x80xi32, #tpu.memory_space<hbm>>) dst(%arg5 : memref<80x80xi32, #tpu.memory_space<vmem>>)
      tpu.yield
    }) : () -> ()
    %dma_wait3A = arith.constant 0 : i32
    %dma_wait3A_10 = tpu.memref_slice %arg7[%mul3A_6, %dma_wait3A] : memref<8192x128xf32, #tpu.memory_space<vmem_shared>> -> memref<512x128xf32, #tpu.memory_space<vmem_shared>>
    %dma_wait3A_11 = arith.constant 0 : i32
    %dma_wait3A_12 = tpu.memref_slice %arg2[%mul3A_4, %dma_wait3A_11] : memref<8192x128xf32, #tpu.memory_space<hbm>> -> memref<512x128xf32, #tpu.memory_space<hbm>>
    tpu.wait_dma2 semaphore(%arg18 : memref<!tpu.dma_semaphore, #tpu.memory_space<semaphore_mem>>) src(%dma_wait3A_12 : memref<512x128xf32, #tpu.memory_space<hbm>>) dst(%dma_wait3A_10 : memref<512x128xf32, #tpu.memory_space<vmem_shared>>)
    %barrier3A = arith.constant 0 : index
    tpu.barrier barrier_id(%barrier3A)
    %dma_start3A_13 = arith.constant 0 : i32
    %dma_start3A_14 = arith.constant 0 : i32
    %dma_start3A_15 = arith.constant 0 : i32
    %dma_start3A_16 = arith.constant 0 : i32
    %dma_start3A_17 = tpu.memref_slice %arg6[%dma_start3A_14, %dma_start3A_15, %dma_start3A_16] : memref<5x80x128xf32, #tpu.memory_space<vmem>> -> memref<1x80x128xf32, #tpu.memory_space<vmem>>
    %dma_start3A_18 = tpu.memref_squeeze %dma_start3A_17 : memref<1x80x128xf32, #tpu.memory_space<vmem>> -> memref<80x128xf32, #tpu.memory_space<vmem>>
    %dma_start3A_19 = arith.constant 0 : i32
    %dma_start3A_20 = tpu.memref_slice %arg5[%dma_start3A_13, %dma_start3A_19] : memref<80x80xi32, #tpu.memory_space<vmem>> -> memref<1x80xi32, #tpu.memory_space<vmem>>
    %dma_start3A_21 = tpu.memref_squeeze %dma_start3A_20 : memref<1x80xi32, #tpu.memory_space<vmem>> -> memref<80xi32, #tpu.memory_space<vmem>>
    %dma_start3A_22 = arith.constant 0 : i32
    %dma_start3A_23 = arith.constant 0 : i32
    %dma_start3A_24 = tpu.memref_slice %arg7[%dma_start3A_22, %dma_start3A_23] : memref<8192x128xf32, #tpu.memory_space<vmem_shared>> -> memref<8192x128xf32, #tpu.memory_space<vmem_shared>>
    tpu.enqueue_indirect_dma source(%dma_start3A_24 : memref<8192x128xf32, #tpu.memory_space<vmem_shared>>) target(%dma_start3A_18 : memref<80x128xf32, #tpu.memory_space<vmem>>) offsets(%dma_start3A_21 : memref<80xi32, #tpu.memory_space<vmem>>) semaphore(%arg8 : memref<!tpu.dma_semaphore, #tpu.memory_space<semaphore_mem>>)
    %dma_start3A_25 = arith.constant 1 : i32
    %dma_start3A_26 = arith.constant 1 : i32
    %dma_start3A_27 = arith.constant 0 : i32
    %dma_start3A_28 = arith.constant 0 : i32
    %dma_start3A_29 = tpu.memref_slice %arg6[%dma_start3A_26, %dma_start3A_27, %dma_start3A_28] : memref<5x80x128xf32, #tpu.memory_space<vmem>> -> memref<1x80x128xf32, #tpu.memory_space<vmem>>
    %dma_start3A_30 = tpu.memref_squeeze %dma_start3A_29 : memref<1x80x128xf32, #tpu.memory_space<vmem>> -> memref<80x128xf32, #tpu.memory_space<vmem>>
    %dma_start3A_31 = arith.constant 0 : i32
    %dma_start3A_32 = tpu.memref_slice %arg5[%dma_start3A_25, %dma_start3A_31] : memref<80x80xi32, #tpu.memory_space<vmem>> -> memref<1x80xi32, #tpu.memory_space<vmem>>
    %dma_start3A_33 = tpu.memref_squeeze %dma_start3A_32 : memref<1x80xi32, #tpu.memory_space<vmem>> -> memref<80xi32, #tpu.memory_space<vmem>>
    %dma_start3A_34 = arith.constant 0 : i32
    %dma_start3A_35 = arith.constant 0 : i32
    %dma_start3A_36 = tpu.memref_slice %arg7[%dma_start3A_34, %dma_start3A_35] : memref<8192x128xf32, #tpu.memory_space<vmem_shared>> -> memref<8192x128xf32, #tpu.memory_space<vmem_shared>>
    tpu.enqueue_indirect_dma source(%dma_start3A_36 : memref<8192x128xf32, #tpu.memory_space<vmem_shared>>) target(%dma_start3A_30 : memref<80x128xf32, #tpu.memory_space<vmem>>) offsets(%dma_start3A_33 : memref<80xi32, #tpu.memory_space<vmem>>) semaphore(%arg9 : memref<!tpu.dma_semaphore, #tpu.memory_space<semaphore_mem>>)
    %dma_start3A_37 = arith.constant 2 : i32
    %dma_start3A_38 = arith.constant 2 : i32
    %dma_start3A_39 = arith.constant 0 : i32
    %dma_start3A_40 = arith.constant 0 : i32
    %dma_start3A_41 = tpu.memref_slice %arg6[%dma_start3A_38, %dma_start3A_39, %dma_start3A_40] : memref<5x80x128xf32, #tpu.memory_space<vmem>> -> memref<1x80x128xf32, #tpu.memory_space<vmem>>
    %dma_start3A_42 = tpu.memref_squeeze %dma_start3A_41 : memref<1x80x128xf32, #tpu.memory_space<vmem>> -> memref<80x128xf32, #tpu.memory_space<vmem>>
    %dma_start3A_43 = arith.constant 0 : i32
    %dma_start3A_44 = tpu.memref_slice %arg5[%dma_start3A_37, %dma_start3A_43] : memref<80x80xi32, #tpu.memory_space<vmem>> -> memref<1x80xi32, #tpu.memory_space<vmem>>
    %dma_start3A_45 = tpu.memref_squeeze %dma_start3A_44 : memref<1x80xi32, #tpu.memory_space<vmem>> -> memref<80xi32, #tpu.memory_space<vmem>>
    %dma_start3A_46 = arith.constant 0 : i32
    %dma_start3A_47 = arith.constant 0 : i32
    %dma_start3A_48 = tpu.memref_slice %arg7[%dma_start3A_46, %dma_start3A_47] : memref<8192x128xf32, #tpu.memory_space<vmem_shared>> -> memref<8192x128xf32, #tpu.memory_space<vmem_shared>>
    tpu.enqueue_indirect_dma source(%dma_start3A_48 : memref<8192x128xf32, #tpu.memory_space<vmem_shared>>) target(%dma_start3A_42 : memref<80x128xf32, #tpu.memory_space<vmem>>) offsets(%dma_start3A_45 : memref<80xi32, #tpu.memory_space<vmem>>) semaphore(%arg10 : memref<!tpu.dma_semaphore, #tpu.memory_space<semaphore_mem>>)
    %dma_wait3A_49 = arith.constant 0 : i32
    %dma_wait3A_50 = arith.constant 0 : i32
    %dma_wait3A_51 = arith.constant 0 : i32
    %dma_wait3A_52 = arith.constant 0 : i32
    %dma_wait3A_53 = tpu.memref_slice %arg6[%dma_wait3A_50, %dma_wait3A_51, %dma_wait3A_52] : memref<5x80x128xf32, #tpu.memory_space<vmem>> -> memref<1x80x128xf32, #tpu.memory_space<vmem>>
    %dma_wait3A_54 = tpu.memref_squeeze %dma_wait3A_53 : memref<1x80x128xf32, #tpu.memory_space<vmem>> -> memref<80x128xf32, #tpu.memory_space<vmem>>
    %dma_wait3A_55 = arith.constant 0 : i32
    %dma_wait3A_56 = tpu.memref_slice %arg5[%dma_wait3A_49, %dma_wait3A_55] : memref<80x80xi32, #tpu.memory_space<vmem>> -> memref<1x80xi32, #tpu.memory_space<vmem>>
    %dma_wait3A_57 = tpu.memref_squeeze %dma_wait3A_56 : memref<1x80xi32, #tpu.memory_space<vmem>> -> memref<80xi32, #tpu.memory_space<vmem>>
    %dma_wait3A_58 = arith.constant 0 : i32
    %dma_wait3A_59 = arith.constant 0 : i32
    %dma_wait3A_60 = tpu.memref_slice %arg7[%dma_wait3A_58, %dma_wait3A_59] : memref<8192x128xf32, #tpu.memory_space<vmem_shared>> -> memref<8192x128xf32, #tpu.memory_space<vmem_shared>>
    tpu.wait_indirect_dma semaphore(%arg8 : memref<!tpu.dma_semaphore, #tpu.memory_space<semaphore_mem>>) src(%dma_wait3A_60 : memref<8192x128xf32, #tpu.memory_space<vmem_shared>>) dst(%dma_wait3A_54 : memref<80x128xf32, #tpu.memory_space<vmem>>)
    %add3A_61 = arith.constant 0 : i32
    %add3A_62 = arith.addi %mul3A_2, %add3A_61 : i32
    %dma_start3A_63 = arith.constant 0 : i32
    %dma_start3A_64 = arith.constant 0 : i32
    %dma_start3A_65 = arith.constant 0 : i32
    %dma_start3A_66 = tpu.memref_slice %arg6[%dma_start3A_63, %dma_start3A_64, %dma_start3A_65] : memref<5x80x128xf32, #tpu.memory_space<vmem>> -> memref<1x80x128xf32, #tpu.memory_space<vmem>>
    %dma_start3A_67 = tpu.memref_squeeze %dma_start3A_66 : memref<1x80x128xf32, #tpu.memory_space<vmem>> -> memref<80x128xf32, #tpu.memory_space<vmem>>
    %dma_start3A_68 = arith.constant 0 : i32
    %dma_start3A_69 = tpu.memref_slice %arg4[%add3A_62, %dma_start3A_68] : memref<204800x128xf32, #tpu.memory_space<hbm>> -> memref<80x128xf32, #tpu.memory_space<hbm>>
    %dma_start3A_70 = arith.constant 0 : i32
    %dma_start3A_71 = tpu.memref_slice %arg4[%add3A_62, %dma_start3A_70] : memref<204800x128xf32, #tpu.memory_space<hbm>> -> memref<80x128xf32, #tpu.memory_space<hbm>>
    %dma_start3A_72 = arith.constant 0 : i32
    %dma_start3A_73 = arith.constant 0 : i32
    %dma_start3A_74 = tpu.memref_slice %arg6[%dma_start3A_63, %dma_start3A_72, %dma_start3A_73] : memref<5x80x128xf32, #tpu.memory_space<vmem>> -> memref<1x80x128xf32, #tpu.memory_space<vmem>>
    %dma_start3A_75 = tpu.memref_squeeze %dma_start3A_74 : memref<1x80x128xf32, #tpu.memory_space<vmem>> -> memref<80x128xf32, #tpu.memory_space<vmem>>
    tpu.enqueue_dma source(%dma_start3A_75 : memref<80x128xf32, #tpu.memory_space<vmem>>) target(%dma_start3A_71 : memref<80x128xf32, #tpu.memory_space<hbm>>) target_semaphore(%arg13 : memref<!tpu.dma_semaphore, #tpu.memory_space<semaphore_mem>>)
    %dma_start3A_76 = arith.constant 3 : i32
    %dma_start3A_77 = arith.constant 3 : i32
    %dma_start3A_78 = arith.constant 0 : i32
    %dma_start3A_79 = arith.constant 0 : i32
    %dma_start3A_80 = tpu.memref_slice %arg6[%dma_start3A_77, %dma_start3A_78, %dma_start3A_79] : memref<5x80x128xf32, #tpu.memory_space<vmem>> -> memref<1x80x128xf32, #tpu.memory_space<vmem>>
    %dma_start3A_81 = tpu.memref_squeeze %dma_start3A_80 : memref<1x80x128xf32, #tpu.memory_space<vmem>> -> memref<80x128xf32, #tpu.memory_space<vmem>>
    %dma_start3A_82 = arith.constant 0 : i32
    %dma_start3A_83 = tpu.memref_slice %arg5[%dma_start3A_76, %dma_start3A_82] : memref<80x80xi32, #tpu.memory_space<vmem>> -> memref<1x80xi32, #tpu.memory_space<vmem>>
    %dma_start3A_84 = tpu.memref_squeeze %dma_start3A_83 : memref<1x80xi32, #tpu.memory_space<vmem>> -> memref<80xi32, #tpu.memory_space<vmem>>
    %dma_start3A_85 = arith.constant 0 : i32
    %dma_start3A_86 = arith.constant 0 : i32
    %dma_start3A_87 = tpu.memref_slice %arg7[%dma_start3A_85, %dma_start3A_86] : memref<8192x128xf32, #tpu.memory_space<vmem_shared>> -> memref<8192x128xf32, #tpu.memory_space<vmem_shared>>
    tpu.enqueue_indirect_dma source(%dma_start3A_87 : memref<8192x128xf32, #tpu.memory_space<vmem_shared>>) target(%dma_start3A_81 : memref<80x128xf32, #tpu.memory_space<vmem>>) offsets(%dma_start3A_84 : memref<80xi32, #tpu.memory_space<vmem>>) semaphore(%arg11 : memref<!tpu.dma_semaphore, #tpu.memory_space<semaphore_mem>>)
    %dma_wait3A_88 = arith.constant 1 : i32
    %dma_wait3A_89 = arith.constant 1 : i32
    %dma_wait3A_90 = arith.constant 0 : i32
    %dma_wait3A_91 = arith.constant 0 : i32
    %dma_wait3A_92 = tpu.memref_slice %arg6[%dma_wait3A_89, %dma_wait3A_90, %dma_wait3A_91] : memref<5x80x128xf32, #tpu.memory_space<vmem>> -> memref<1x80x128xf32, #tpu.memory_space<vmem>>
    %dma_wait3A_93 = tpu.memref_squeeze %dma_wait3A_92 : memref<1x80x128xf32, #tpu.memory_space<vmem>> -> memref<80x128xf32, #tpu.memory_space<vmem>>
    %dma_wait3A_94 = arith.constant 0 : i32
    %dma_wait3A_95 = tpu.memref_slice %arg5[%dma_wait3A_88, %dma_wait3A_94] : memref<80x80xi32, #tpu.memory_space<vmem>> -> memref<1x80xi32, #tpu.memory_space<vmem>>
    %dma_wait3A_96 = tpu.memref_squeeze %dma_wait3A_95 : memref<1x80xi32, #tpu.memory_space<vmem>> -> memref<80xi32, #tpu.memory_space<vmem>>
    %dma_wait3A_97 = arith.constant 0 : i32
    %dma_wait3A_98 = arith.constant 0 : i32
    %dma_wait3A_99 = tpu.memref_slice %arg7[%dma_wait3A_97, %dma_wait3A_98] : memref<8192x128xf32, #tpu.memory_space<vmem_shared>> -> memref<8192x128xf32, #tpu.memory_space<vmem_shared>>
    tpu.wait_indirect_dma semaphore(%arg9 : memref<!tpu.dma_semaphore, #tpu.memory_space<semaphore_mem>>) src(%dma_wait3A_99 : memref<8192x128xf32, #tpu.memory_space<vmem_shared>>) dst(%dma_wait3A_93 : memref<80x128xf32, #tpu.memory_space<vmem>>)
    %add3A_100 = arith.constant 80 : i32
    %add3A_101 = arith.addi %mul3A_2, %add3A_100 : i32
    %dma_start3A_102 = arith.constant 1 : i32
    %dma_start3A_103 = arith.constant 0 : i32
    %dma_start3A_104 = arith.constant 0 : i32
    %dma_start3A_105 = tpu.memref_slice %arg6[%dma_start3A_102, %dma_start3A_103, %dma_start3A_104] : memref<5x80x128xf32, #tpu.memory_space<vmem>> -> memref<1x80x128xf32, #tpu.memory_space<vmem>>
    %dma_start3A_106 = tpu.memref_squeeze %dma_start3A_105 : memref<1x80x128xf32, #tpu.memory_space<vmem>> -> memref<80x128xf32, #tpu.memory_space<vmem>>
    %dma_start3A_107 = arith.constant 0 : i32
    %dma_start3A_108 = tpu.memref_slice %arg4[%add3A_101, %dma_start3A_107] : memref<204800x128xf32, #tpu.memory_space<hbm>> -> memref<80x128xf32, #tpu.memory_space<hbm>>
    %dma_start3A_109 = arith.constant 0 : i32
    %dma_start3A_110 = tpu.memref_slice %arg4[%add3A_101, %dma_start3A_109] : memref<204800x128xf32, #tpu.memory_space<hbm>> -> memref<80x128xf32, #tpu.memory_space<hbm>>
    %dma_start3A_111 = arith.constant 0 : i32
    %dma_start3A_112 = arith.constant 0 : i32
    %dma_start3A_113 = tpu.memref_slice %arg6[%dma_start3A_102, %dma_start3A_111, %dma_start3A_112] : memref<5x80x128xf32, #tpu.memory_space<vmem>> -> memref<1x80x128xf32, #tpu.memory_space<vmem>>
    %dma_start3A_114 = tpu.memref_squeeze %dma_start3A_113 : memref<1x80x128xf32, #tpu.memory_space<vmem>> -> memref<80x128xf32, #tpu.memory_space<vmem>>
    tpu.enqueue_dma source(%dma_start3A_114 : memref<80x128xf32, #tpu.memory_space<vmem>>) target(%dma_start3A_110 : memref<80x128xf32, #tpu.memory_space<hbm>>) target_semaphore(%arg14 : memref<!tpu.dma_semaphore, #tpu.memory_space<semaphore_mem>>)
    %dma_start3A_115 = arith.constant 4 : i32
    %dma_start3A_116 = arith.constant 4 : i32
    %dma_start3A_117 = arith.constant 0 : i32
    %dma_start3A_118 = arith.constant 0 : i32
    %dma_start3A_119 = tpu.memref_slice %arg6[%dma_start3A_116, %dma_start3A_117, %dma_start3A_118] : memref<5x80x128xf32, #tpu.memory_space<vmem>> -> memref<1x80x128xf32, #tpu.memory_space<vmem>>
    %dma_start3A_120 = tpu.memref_squeeze %dma_start3A_119 : memref<1x80x128xf32, #tpu.memory_space<vmem>> -> memref<80x128xf32, #tpu.memory_space<vmem>>
    %dma_start3A_121 = arith.constant 0 : i32
    %dma_start3A_122 = tpu.memref_slice %arg5[%dma_start3A_115, %dma_start3A_121] : memref<80x80xi32, #tpu.memory_space<vmem>> -> memref<1x80xi32, #tpu.memory_space<vmem>>
    %dma_start3A_123 = tpu.memref_squeeze %dma_start3A_122 : memref<1x80xi32, #tpu.memory_space<vmem>> -> memref<80xi32, #tpu.memory_space<vmem>>
    %dma_start3A_124 = arith.constant 0 : i32
    %dma_start3A_125 = arith.constant 0 : i32
    %dma_start3A_126 = tpu.memref_slice %arg7[%dma_start3A_124, %dma_start3A_125] : memref<8192x128xf32, #tpu.memory_space<vmem_shared>> -> memref<8192x128xf32, #tpu.memory_space<vmem_shared>>
    tpu.enqueue_indirect_dma source(%dma_start3A_126 : memref<8192x128xf32, #tpu.memory_space<vmem_shared>>) target(%dma_start3A_120 : memref<80x128xf32, #tpu.memory_space<vmem>>) offsets(%dma_start3A_123 : memref<80xi32, #tpu.memory_space<vmem>>) semaphore(%arg12 : memref<!tpu.dma_semaphore, #tpu.memory_space<semaphore_mem>>)
    %dma_wait3A_127 = arith.constant 2 : i32
    %dma_wait3A_128 = arith.constant 2 : i32
    %dma_wait3A_129 = arith.constant 0 : i32
    %dma_wait3A_130 = arith.constant 0 : i32
    %dma_wait3A_131 = tpu.memref_slice %arg6[%dma_wait3A_128, %dma_wait3A_129, %dma_wait3A_130] : memref<5x80x128xf32, #tpu.memory_space<vmem>> -> memref<1x80x128xf32, #tpu.memory_space<vmem>>
    %dma_wait3A_132 = tpu.memref_squeeze %dma_wait3A_131 : memref<1x80x128xf32, #tpu.memory_space<vmem>> -> memref<80x128xf32, #tpu.memory_space<vmem>>
    %dma_wait3A_133 = arith.constant 0 : i32
    %dma_wait3A_134 = tpu.memref_slice %arg5[%dma_wait3A_127, %dma_wait3A_133] : memref<80x80xi32, #tpu.memory_space<vmem>> -> memref<1x80xi32, #tpu.memory_space<vmem>>
    %dma_wait3A_135 = tpu.memref_squeeze %dma_wait3A_134 : memref<1x80xi32, #tpu.memory_space<vmem>> -> memref<80xi32, #tpu.memory_space<vmem>>
    %dma_wait3A_136 = arith.constant 0 : i32
    %dma_wait3A_137 = arith.constant 0 : i32
    %dma_wait3A_138 = tpu.memref_slice %arg7[%dma_wait3A_136, %dma_wait3A_137] : memref<8192x128xf32, #tpu.memory_space<vmem_shared>> -> memref<8192x128xf32, #tpu.memory_space<vmem_shared>>
    tpu.wait_indirect_dma semaphore(%arg10 : memref<!tpu.dma_semaphore, #tpu.memory_space<semaphore_mem>>) src(%dma_wait3A_138 : memref<8192x128xf32, #tpu.memory_space<vmem_shared>>) dst(%dma_wait3A_132 : memref<80x128xf32, #tpu.memory_space<vmem>>)
    %add3A_139 = arith.constant 160 : i32
    %add3A_140 = arith.addi %mul3A_2, %add3A_139 : i32
    %dma_start3A_141 = arith.constant 2 : i32
    %dma_start3A_142 = arith.constant 0 : i32
    %dma_start3A_143 = arith.constant 0 : i32
    %dma_start3A_144 = tpu.memref_slice %arg6[%dma_start3A_141, %dma_start3A_142, %dma_start3A_143] : memref<5x80x128xf32, #tpu.memory_space<vmem>> -> memref<1x80x128xf32, #tpu.memory_space<vmem>>
    %dma_start3A_145 = tpu.memref_squeeze %dma_start3A_144 : memref<1x80x128xf32, #tpu.memory_space<vmem>> -> memref<80x128xf32, #tpu.memory_space<vmem>>
    %dma_start3A_146 = arith.constant 0 : i32
    %dma_start3A_147 = tpu.memref_slice %arg4[%add3A_140, %dma_start3A_146] : memref<204800x128xf32, #tpu.memory_space<hbm>> -> memref<80x128xf32, #tpu.memory_space<hbm>>
    %dma_start3A_148 = arith.constant 0 : i32
    %dma_start3A_149 = tpu.memref_slice %arg4[%add3A_140, %dma_start3A_148] : memref<204800x128xf32, #tpu.memory_space<hbm>> -> memref<80x128xf32, #tpu.memory_space<hbm>>
    %dma_start3A_150 = arith.constant 0 : i32
    %dma_start3A_151 = arith.constant 0 : i32
    %dma_start3A_152 = tpu.memref_slice %arg6[%dma_start3A_141, %dma_start3A_150, %dma_start3A_151] : memref<5x80x128xf32, #tpu.memory_space<vmem>> -> memref<1x80x128xf32, #tpu.memory_space<vmem>>
    %dma_start3A_153 = tpu.memref_squeeze %dma_start3A_152 : memref<1x80x128xf32, #tpu.memory_space<vmem>> -> memref<80x128xf32, #tpu.memory_space<vmem>>
    tpu.enqueue_dma source(%dma_start3A_153 : memref<80x128xf32, #tpu.memory_space<vmem>>) target(%dma_start3A_149 : memref<80x128xf32, #tpu.memory_space<hbm>>) target_semaphore(%arg15 : memref<!tpu.dma_semaphore, #tpu.memory_space<semaphore_mem>>)
    %add3A_154 = arith.constant 0 : i32
    %add3A_155 = arith.addi %mul3A_2, %add3A_154 : i32
    %dma_wait3A_156 = arith.constant 0 : i32
    %dma_wait3A_157 = arith.constant 0 : i32
    %dma_wait3A_158 = arith.constant 0 : i32
    %dma_wait3A_159 = tpu.memref_slice %arg6[%dma_wait3A_156, %dma_wait3A_157, %dma_wait3A_158] : memref<5x80x128xf32, #tpu.memory_space<vmem>> -> memref<1x80x128xf32, #tpu.memory_space<vmem>>
    %dma_wait3A_160 = tpu.memref_squeeze %dma_wait3A_159 : memref<1x80x128xf32, #tpu.memory_space<vmem>> -> memref<80x128xf32, #tpu.memory_space<vmem>>
    %dma_wait3A_161 = arith.constant 0 : i32
    %dma_wait3A_162 = tpu.memref_slice %arg4[%add3A_155, %dma_wait3A_161] : memref<204800x128xf32, #tpu.memory_space<hbm>> -> memref<80x128xf32, #tpu.memory_space<hbm>>
    %dma_wait3A_163 = arith.constant 0 : i32
    %dma_wait3A_164 = tpu.memref_slice %arg4[%add3A_155, %dma_wait3A_163] : memref<204800x128xf32, #tpu.memory_space<hbm>> -> memref<80x128xf32, #tpu.memory_space<hbm>>
    %dma_wait3A_165 = arith.constant 0 : i32
    %dma_wait3A_166 = arith.constant 0 : i32
    %dma_wait3A_167 = tpu.memref_slice %arg6[%dma_wait3A_156, %dma_wait3A_165, %dma_wait3A_166] : memref<5x80x128xf32, #tpu.memory_space<vmem>> -> memref<1x80x128xf32, #tpu.memory_space<vmem>>
    %dma_wait3A_168 = tpu.memref_squeeze %dma_wait3A_167 : memref<1x80x128xf32, #tpu.memory_space<vmem>> -> memref<80x128xf32, #tpu.memory_space<vmem>>
    tpu.wait_dma2 semaphore(%arg13 : memref<!tpu.dma_semaphore, #tpu.memory_space<semaphore_mem>>) src(%dma_wait3A_168 : memref<80x128xf32, #tpu.memory_space<vmem>>) dst(%dma_wait3A_164 : memref<80x128xf32, #tpu.memory_space<hbm>>)
    %dma_start3A_169 = arith.constant 5 : i32
    %dma_start3A_170 = arith.constant 0 : i32
    %dma_start3A_171 = arith.constant 0 : i32
    %dma_start3A_172 = arith.constant 0 : i32
    %dma_start3A_173 = tpu.memref_slice %arg6[%dma_start3A_170, %dma_start3A_171, %dma_start3A_172] : memref<5x80x128xf32, #tpu.memory_space<vmem>> -> memref<1x80x128xf32, #tpu.memory_space<vmem>>
    %dma_start3A_174 = tpu.memref_squeeze %dma_start3A_173 : memref<1x80x128xf32, #tpu.memory_space<vmem>> -> memref<80x128xf32, #tpu.memory_space<vmem>>
    %dma_start3A_175 = arith.constant 0 : i32
    %dma_start3A_176 = tpu.memref_slice %arg5[%dma_start3A_169, %dma_start3A_175] : memref<80x80xi32, #tpu.memory_space<vmem>> -> memref<1x80xi32, #tpu.memory_space<vmem>>
    %dma_start3A_177 = tpu.memref_squeeze %dma_start3A_176 : memref<1x80xi32, #tpu.memory_space<vmem>> -> memref<80xi32, #tpu.memory_space<vmem>>
    %dma_start3A_178 = arith.constant 0 : i32
    %dma_start3A_179 = arith.constant 0 : i32
    %dma_start3A_180 = tpu.memref_slice %arg7[%dma_start3A_178, %dma_start3A_179] : memref<8192x128xf32, #tpu.memory_space<vmem_shared>> -> memref<8192x128xf32, #tpu.memory_space<vmem_shared>>
    tpu.enqueue_indirect_dma source(%dma_start3A_180 : memref<8192x128xf32, #tpu.memory_space<vmem_shared>>) target(%dma_start3A_174 : memref<80x128xf32, #tpu.memory_space<vmem>>) offsets(%dma_start3A_177 : memref<80xi32, #tpu.memory_space<vmem>>) semaphore(%arg8 : memref<!tpu.dma_semaphore, #tpu.memory_space<semaphore_mem>>)
    %dma_wait3A_181 = arith.constant 3 : i32
    %dma_wait3A_182 = arith.constant 3 : i32
    %dma_wait3A_183 = arith.constant 0 : i32
    %dma_wait3A_184 = arith.constant 0 : i32
    %dma_wait3A_185 = tpu.memref_slice %arg6[%dma_wait3A_182, %dma_wait3A_183, %dma_wait3A_184] : memref<5x80x128xf32, #tpu.memory_space<vmem>> -> memref<1x80x128xf32, #tpu.memory_space<vmem>>
    %dma_wait3A_186 = tpu.memref_squeeze %dma_wait3A_185 : memref<1x80x128xf32, #tpu.memory_space<vmem>> -> memref<80x128xf32, #tpu.memory_space<vmem>>
    %dma_wait3A_187 = arith.constant 0 : i32
    %dma_wait3A_188 = tpu.memref_slice %arg5[%dma_wait3A_181, %dma_wait3A_187] : memref<80x80xi32, #tpu.memory_space<vmem>> -> memref<1x80xi32, #tpu.memory_space<vmem>>
    %dma_wait3A_189 = tpu.memref_squeeze %dma_wait3A_188 : memref<1x80xi32, #tpu.memory_space<vmem>> -> memref<80xi32, #tpu.memory_space<vmem>>
    %dma_wait3A_190 = arith.constant 0 : i32
    %dma_wait3A_191 = arith.constant 0 : i32
    %dma_wait3A_192 = tpu.memref_slice %arg7[%dma_wait3A_190, %dma_wait3A_191] : memref<8192x128xf32, #tpu.memory_space<vmem_shared>> -> memref<8192x128xf32, #tpu.memory_space<vmem_shared>>
    tpu.wait_indirect_dma semaphore(%arg11 : memref<!tpu.dma_semaphore, #tpu.memory_space<semaphore_mem>>) src(%dma_wait3A_192 : memref<8192x128xf32, #tpu.memory_space<vmem_shared>>) dst(%dma_wait3A_186 : memref<80x128xf32, #tpu.memory_space<vmem>>)
    %add3A_193 = arith.constant 240 : i32
    %add3A_194 = arith.addi %mul3A_2, %add3A_193 : i32
    %dma_start3A_195 = arith.constant 3 : i32
    %dma_start3A_196 = arith.constant 0 : i32
    %dma_start3A_197 = arith.constant 0 : i32
    %dma_start3A_198 = tpu.memref_slice %arg6[%dma_start3A_195, %dma_start3A_196, %dma_start3A_197] : memref<5x80x128xf32, #tpu.memory_space<vmem>> -> memref<1x80x128xf32, #tpu.memory_space<vmem>>
    %dma_start3A_199 = tpu.memref_squeeze %dma_start3A_198 : memref<1x80x128xf32, #tpu.memory_space<vmem>> -> memref<80x128xf32, #tpu.memory_space<vmem>>
    %dma_start3A_200 = arith.constant 0 : i32
    %dma_start3A_201 = tpu.memref_slice %arg4[%add3A_194, %dma_start3A_200] : memref<204800x128xf32, #tpu.memory_space<hbm>> -> memref<80x128xf32, #tpu.memory_space<hbm>>
    %dma_start3A_202 = arith.constant 0 : i32
    %dma_start3A_203 = tpu.memref_slice %arg4[%add3A_194, %dma_start3A_202] : memref<204800x128xf32, #tpu.memory_space<hbm>> -> memref<80x128xf32, #tpu.memory_space<hbm>>
    %dma_start3A_204 = arith.constant 0 : i32
    %dma_start3A_205 = arith.constant 0 : i32
    %dma_start3A_206 = tpu.memref_slice %arg6[%dma_start3A_195, %dma_start3A_204, %dma_start3A_205] : memref<5x80x128xf32, #tpu.memory_space<vmem>> -> memref<1x80x128xf32, #tpu.memory_space<vmem>>
    %dma_start3A_207 = tpu.memref_squeeze %dma_start3A_206 : memref<1x80x128xf32, #tpu.memory_space<vmem>> -> memref<80x128xf32, #tpu.memory_space<vmem>>
    tpu.enqueue_dma source(%dma_start3A_207 : memref<80x128xf32, #tpu.memory_space<vmem>>) target(%dma_start3A_203 : memref<80x128xf32, #tpu.memory_space<hbm>>) target_semaphore(%arg16 : memref<!tpu.dma_semaphore, #tpu.memory_space<semaphore_mem>>)
    %add3A_208 = arith.constant 80 : i32
    %add3A_209 = arith.addi %mul3A_2, %add3A_208 : i32
    %dma_wait3A_210 = arith.constant 1 : i32
    %dma_wait3A_211 = arith.constant 0 : i32
    %dma_wait3A_212 = arith.constant 0 : i32
    %dma_wait3A_213 = tpu.memref_slice %arg6[%dma_wait3A_210, %dma_wait3A_211, %dma_wait3A_212] : memref<5x80x128xf32, #tpu.memory_space<vmem>> -> memref<1x80x128xf32, #tpu.memory_space<vmem>>
    %dma_wait3A_214 = tpu.memref_squeeze %dma_wait3A_213 : memref<1x80x128xf32, #tpu.memory_space<vmem>> -> memref<80x128xf32, #tpu.memory_space<vmem>>
    %dma_wait3A_215 = arith.constant 0 : i32
    %dma_wait3A_216 = tpu.memref_slice %arg4[%add3A_209, %dma_wait3A_215] : memref<204800x128xf32, #tpu.memory_space<hbm>> -> memref<80x128xf32, #tpu.memory_space<hbm>>
    %dma_wait3A_217 = arith.constant 0 : i32
    %dma_wait3A_218 = tpu.memref_slice %arg4[%add3A_209, %dma_wait3A_217] : memref<204800x128xf32, #tpu.memory_space<hbm>> -> memref<80x128xf32, #tpu.memory_space<hbm>>
    %dma_wait3A_219 = arith.constant 0 : i32
    %dma_wait3A_220 = arith.constant 0 : i32
    %dma_wait3A_221 = tpu.memref_slice %arg6[%dma_wait3A_210, %dma_wait3A_219, %dma_wait3A_220] : memref<5x80x128xf32, #tpu.memory_space<vmem>> -> memref<1x80x128xf32, #tpu.memory_space<vmem>>
    %dma_wait3A_222 = tpu.memref_squeeze %dma_wait3A_221 : memref<1x80x128xf32, #tpu.memory_space<vmem>> -> memref<80x128xf32, #tpu.memory_space<vmem>>
    tpu.wait_dma2 semaphore(%arg14 : memref<!tpu.dma_semaphore, #tpu.memory_space<semaphore_mem>>) src(%dma_wait3A_222 : memref<80x128xf32, #tpu.memory_space<vmem>>) dst(%dma_wait3A_218 : memref<80x128xf32, #tpu.memory_space<hbm>>)
    %dma_start3A_223 = arith.constant 6 : i32
    %dma_start3A_224 = arith.constant 1 : i32
    %dma_start3A_225 = arith.constant 0 : i32
    %dma_start3A_226 = arith.constant 0 : i32
    %dma_start3A_227 = tpu.memref_slice %arg6[%dma_start3A_224, %dma_start3A_225, %dma_start3A_226] : memref<5x80x128xf32, #tpu.memory_space<vmem>> -> memref<1x80x128xf32, #tpu.memory_space<vmem>>
    %dma_start3A_228 = tpu.memref_squeeze %dma_start3A_227 : memref<1x80x128xf32, #tpu.memory_space<vmem>> -> memref<80x128xf32, #tpu.memory_space<vmem>>
    %dma_start3A_229 = arith.constant 0 : i32
    %dma_start3A_230 = tpu.memref_slice %arg5[%dma_start3A_223, %dma_start3A_229] : memref<80x80xi32, #tpu.memory_space<vmem>> -> memref<1x80xi32, #tpu.memory_space<vmem>>
    %dma_start3A_231 = tpu.memref_squeeze %dma_start3A_230 : memref<1x80xi32, #tpu.memory_space<vmem>> -> memref<80xi32, #tpu.memory_space<vmem>>
    %dma_start3A_232 = arith.constant 0 : i32
    %dma_start3A_233 = arith.constant 0 : i32
    %dma_start3A_234 = tpu.memref_slice %arg7[%dma_start3A_232, %dma_start3A_233] : memref<8192x128xf32, #tpu.memory_space<vmem_shared>> -> memref<8192x128xf32, #tpu.memory_space<vmem_shared>>
    tpu.enqueue_indirect_dma source(%dma_start3A_234 : memref<8192x128xf32, #tpu.memory_space<vmem_shared>>) target(%dma_start3A_228 : memref<80x128xf32, #tpu.memory_space<vmem>>) offsets(%dma_start3A_231 : memref<80xi32, #tpu.memory_space<vmem>>) semaphore(%arg9 : memref<!tpu.dma_semaphore, #tpu.memory_space<semaphore_mem>>)
    %dma_wait3A_235 = arith.constant 4 : i32
    %dma_wait3A_236 = arith.constant 4 : i32
    %dma_wait3A_237 = arith.constant 0 : i32
    %dma_wait3A_238 = arith.constant 0 : i32
    %dma_wait3A_239 = tpu.memref_slice %arg6[%dma_wait3A_236, %dma_wait3A_237, %dma_wait3A_238] : memref<5x80x128xf32, #tpu.memory_space<vmem>> -> memref<1x80x128xf32, #tpu.memory_space<vmem>>
    %dma_wait3A_240 = tpu.memref_squeeze %dma_wait3A_239 : memref<1x80x128xf32, #tpu.memory_space<vmem>> -> memref<80x128xf32, #tpu.memory_space<vmem>>
    %dma_wait3A_241 = arith.constant 0 : i32
    %dma_wait3A_242 = tpu.memref_slice %arg5[%dma_wait3A_235, %dma_wait3A_241] : memref<80x80xi32, #tpu.memory_space<vmem>> -> memref<1x80xi32, #tpu.memory_space<vmem>>
    %dma_wait3A_243 = tpu.memref_squeeze %dma_wait3A_242 : memref<1x80xi32, #tpu.memory_space<vmem>> -> memref<80xi32, #tpu.memory_space<vmem>>
    %dma_wait3A_244 = arith.constant 0 : i32
    %dma_wait3A_245 = arith.constant 0 : i32
    %dma_wait3A_246 = tpu.memref_slice %arg7[%dma_wait3A_244, %dma_wait3A_245] : memref<8192x128xf32, #tpu.memory_space<vmem_shared>> -> memref<8192x128xf32, #tpu.memory_space<vmem_shared>>
    tpu.wait_indirect_dma semaphore(%arg12 : memref<!tpu.dma_semaphore, #tpu.memory_space<semaphore_mem>>) src(%dma_wait3A_246 : memref<8192x128xf32, #tpu.memory_space<vmem_shared>>) dst(%dma_wait3A_240 : memref<80x128xf32, #tpu.memory_space<vmem>>)
    %add3A_247 = arith.constant 320 : i32
    %add3A_248 = arith.addi %mul3A_2, %add3A_247 : i32
    %dma_start3A_249 = arith.constant 4 : i32
    %dma_start3A_250 = arith.constant 0 : i32
    %dma_start3A_251 = arith.constant 0 : i32
    %dma_start3A_252 = tpu.memref_slice %arg6[%dma_start3A_249, %dma_start3A_250, %dma_start3A_251] : memref<5x80x128xf32, #tpu.memory_space<vmem>> -> memref<1x80x128xf32, #tpu.memory_space<vmem>>
    %dma_start3A_253 = tpu.memref_squeeze %dma_start3A_252 : memref<1x80x128xf32, #tpu.memory_space<vmem>> -> memref<80x128xf32, #tpu.memory_space<vmem>>
    %dma_start3A_254 = arith.constant 0 : i32
    %dma_start3A_255 = tpu.memref_slice %arg4[%add3A_248, %dma_start3A_254] : memref<204800x128xf32, #tpu.memory_space<hbm>> -> memref<80x128xf32, #tpu.memory_space<hbm>>
    %dma_start3A_256 = arith.constant 0 : i32
    %dma_start3A_257 = tpu.memref_slice %arg4[%add3A_248, %dma_start3A_256] : memref<204800x128xf32, #tpu.memory_space<hbm>> -> memref<80x128xf32, #tpu.memory_space<hbm>>
    %dma_start3A_258 = arith.constant 0 : i32
    %dma_start3A_259 = arith.constant 0 : i32
    %dma_start3A_260 = tpu.memref_slice %arg6[%dma_start3A_249, %dma_start3A_258, %dma_start3A_259] : memref<5x80x128xf32, #tpu.memory_space<vmem>> -> memref<1x80x128xf32, #tpu.memory_space<vmem>>
    %dma_start3A_261 = tpu.memref_squeeze %dma_start3A_260 : memref<1x80x128xf32, #tpu.memory_space<vmem>> -> memref<80x128xf32, #tpu.memory_space<vmem>>
    tpu.enqueue_dma source(%dma_start3A_261 : memref<80x128xf32, #tpu.memory_space<vmem>>) target(%dma_start3A_257 : memref<80x128xf32, #tpu.memory_space<hbm>>) target_semaphore(%arg17 : memref<!tpu.dma_semaphore, #tpu.memory_space<semaphore_mem>>)
    %scan3A = arith.constant 0 : i32
    %scan3A_262 = arith.constant 14 : i32
    %scan3A_263 = arith.addi %scan3A, %scan3A_262 : i32
    %scan3A_264 = arith.constant 1 : i32
    scf.for %scan3A_557 = %scan3A to %scan3A_263 step %scan3A_264  : i32 {
      %mul3A_558 = arith.constant 5 : i32
      %mul3A_559 = arith.muli %scan3A_557, %mul3A_558 : i32
      %add3A_560 = arith.constant 5 : i32
      %add3A_561 = arith.addi %add3A_560, %mul3A_559 : i32
      %add3A_562 = arith.constant 0 : i32
      %add3A_563 = arith.addi %add3A_561, %add3A_562 : i32
      %add3A_564 = arith.constant 2 : i32
      %add3A_565 = arith.addi %add3A_563, %add3A_564 : i32
      %sub3A = arith.constant 5 : i32
      %sub3A_566 = arith.subi %add3A_565, %sub3A : i32
      %mul3A_567 = arith.constant 80 : i32
      %mul3A_568 = arith.muli %sub3A_566, %mul3A_567 : i32
      %add3A_569 = arith.addi %mul3A_2, %mul3A_568 : i32
      %dma_wait3A_570 = arith.constant 2 : i32
      %dma_wait3A_571 = arith.constant 0 : i32
      %dma_wait3A_572 = arith.constant 0 : i32
      %dma_wait3A_573 = tpu.memref_slice %arg6[%dma_wait3A_570, %dma_wait3A_571, %dma_wait3A_572] : memref<5x80x128xf32, #tpu.memory_space<vmem>> -> memref<1x80x128xf32, #tpu.memory_space<vmem>>
      %dma_wait3A_574 = tpu.memref_squeeze %dma_wait3A_573 : memref<1x80x128xf32, #tpu.memory_space<vmem>> -> memref<80x128xf32, #tpu.memory_space<vmem>>
      %dma_wait3A_575 = arith.constant 0 : i32
      %dma_wait3A_576 = tpu.memref_slice %arg4[%add3A_569, %dma_wait3A_575] : memref<204800x128xf32, #tpu.memory_space<hbm>> -> memref<80x128xf32, #tpu.memory_space<hbm>>
      %dma_wait3A_577 = arith.constant 0 : i32
      %dma_wait3A_578 = tpu.memref_slice %arg4[%add3A_569, %dma_wait3A_577] : memref<204800x128xf32, #tpu.memory_space<hbm>> -> memref<80x128xf32, #tpu.memory_space<hbm>>
      %dma_wait3A_579 = arith.constant 0 : i32
      %dma_wait3A_580 = arith.constant 0 : i32
      %dma_wait3A_581 = tpu.memref_slice %arg6[%dma_wait3A_570, %dma_wait3A_579, %dma_wait3A_580] : memref<5x80x128xf32, #tpu.memory_space<vmem>> -> memref<1x80x128xf32, #tpu.memory_space<vmem>>
      %dma_wait3A_582 = tpu.memref_squeeze %dma_wait3A_581 : memref<1x80x128xf32, #tpu.memory_space<vmem>> -> memref<80x128xf32, #tpu.memory_space<vmem>>
      tpu.wait_dma2 semaphore(%arg15 : memref<!tpu.dma_semaphore, #tpu.memory_space<semaphore_mem>>) src(%dma_wait3A_582 : memref<80x128xf32, #tpu.memory_space<vmem>>) dst(%dma_wait3A_578 : memref<80x128xf32, #tpu.memory_space<hbm>>)
      %add3A_583 = arith.constant 2 : i32
      %add3A_584 = arith.addi %add3A_563, %add3A_583 : i32
      %dma_start3A_585 = arith.constant 2 : i32
      %dma_start3A_586 = arith.constant 0 : i32
      %dma_start3A_587 = arith.constant 0 : i32
      %dma_start3A_588 = tpu.memref_slice %arg6[%dma_start3A_585, %dma_start3A_586, %dma_start3A_587] : memref<5x80x128xf32, #tpu.memory_space<vmem>> -> memref<1x80x128xf32, #tpu.memory_space<vmem>>
      %dma_start3A_589 = tpu.memref_squeeze %dma_start3A_588 : memref<1x80x128xf32, #tpu.memory_space<vmem>> -> memref<80x128xf32, #tpu.memory_space<vmem>>
      %dma_start3A_590 = arith.constant 0 : i32
      %dma_start3A_591 = tpu.memref_slice %arg5[%add3A_584, %dma_start3A_590] : memref<80x80xi32, #tpu.memory_space<vmem>> -> memref<1x80xi32, #tpu.memory_space<vmem>>
      %dma_start3A_592 = tpu.memref_squeeze %dma_start3A_591 : memref<1x80xi32, #tpu.memory_space<vmem>> -> memref<80xi32, #tpu.memory_space<vmem>>
      %dma_start3A_593 = arith.constant 0 : i32
      %dma_start3A_594 = arith.constant 0 : i32
      %dma_start3A_595 = tpu.memref_slice %arg7[%dma_start3A_593, %dma_start3A_594] : memref<8192x128xf32, #tpu.memory_space<vmem_shared>> -> memref<8192x128xf32, #tpu.memory_space<vmem_shared>>
      tpu.enqueue_indirect_dma source(%dma_start3A_595 : memref<8192x128xf32, #tpu.memory_space<vmem_shared>>) target(%dma_start3A_589 : memref<80x128xf32, #tpu.memory_space<vmem>>) offsets(%dma_start3A_592 : memref<80xi32, #tpu.memory_space<vmem>>) semaphore(%arg10 : memref<!tpu.dma_semaphore, #tpu.memory_space<semaphore_mem>>)
      %dma_wait3A_596 = arith.constant 0 : i32
      %dma_wait3A_597 = arith.constant 0 : i32
      %dma_wait3A_598 = arith.constant 0 : i32
      %dma_wait3A_599 = tpu.memref_slice %arg6[%dma_wait3A_596, %dma_wait3A_597, %dma_wait3A_598] : memref<5x80x128xf32, #tpu.memory_space<vmem>> -> memref<1x80x128xf32, #tpu.memory_space<vmem>>
      %dma_wait3A_600 = tpu.memref_squeeze %dma_wait3A_599 : memref<1x80x128xf32, #tpu.memory_space<vmem>> -> memref<80x128xf32, #tpu.memory_space<vmem>>
      %dma_wait3A_601 = arith.constant 0 : i32
      %dma_wait3A_602 = tpu.memref_slice %arg5[%add3A_563, %dma_wait3A_601] : memref<80x80xi32, #tpu.memory_space<vmem>> -> memref<1x80xi32, #tpu.memory_space<vmem>>
      %dma_wait3A_603 = tpu.memref_squeeze %dma_wait3A_602 : memref<1x80xi32, #tpu.memory_space<vmem>> -> memref<80xi32, #tpu.memory_space<vmem>>
      %dma_wait3A_604 = arith.constant 0 : i32
      %dma_wait3A_605 = arith.constant 0 : i32
      %dma_wait3A_606 = tpu.memref_slice %arg7[%dma_wait3A_604, %dma_wait3A_605] : memref<8192x128xf32, #tpu.memory_space<vmem_shared>> -> memref<8192x128xf32, #tpu.memory_space<vmem_shared>>
      tpu.wait_indirect_dma semaphore(%arg8 : memref<!tpu.dma_semaphore, #tpu.memory_space<semaphore_mem>>) src(%dma_wait3A_606 : memref<8192x128xf32, #tpu.memory_space<vmem_shared>>) dst(%dma_wait3A_600 : memref<80x128xf32, #tpu.memory_space<vmem>>)
      %mul3A_607 = arith.constant 80 : i32
      %mul3A_608 = arith.muli %add3A_563, %mul3A_607 : i32
      %add3A_609 = arith.addi %mul3A_2, %mul3A_608 : i32
      %dma_start3A_610 = arith.constant 0 : i32
      %dma_start3A_611 = arith.constant 0 : i32
      %dma_start3A_612 = arith.constant 0 : i32
      %dma_start3A_613 = tpu.memref_slice %arg6[%dma_start3A_610, %dma_start3A_611, %dma_start3A_612] : memref<5x80x128xf32, #tpu.memory_space<vmem>> -> memref<1x80x128xf32, #tpu.memory_space<vmem>>
      %dma_start3A_614 = tpu.memref_squeeze %dma_start3A_613 : memref<1x80x128xf32, #tpu.memory_space<vmem>> -> memref<80x128xf32, #tpu.memory_space<vmem>>
      %dma_start3A_615 = arith.constant 0 : i32
      %dma_start3A_616 = tpu.memref_slice %arg4[%add3A_609, %dma_start3A_615] : memref<204800x128xf32, #tpu.memory_space<hbm>> -> memref<80x128xf32, #tpu.memory_space<hbm>>
      %dma_start3A_617 = arith.constant 0 : i32
      %dma_start3A_618 = tpu.memref_slice %arg4[%add3A_609, %dma_start3A_617] : memref<204800x128xf32, #tpu.memory_space<hbm>> -> memref<80x128xf32, #tpu.memory_space<hbm>>
      %dma_start3A_619 = arith.constant 0 : i32
      %dma_start3A_620 = arith.constant 0 : i32
      %dma_start3A_621 = tpu.memref_slice %arg6[%dma_start3A_610, %dma_start3A_619, %dma_start3A_620] : memref<5x80x128xf32, #tpu.memory_space<vmem>> -> memref<1x80x128xf32, #tpu.memory_space<vmem>>
      %dma_start3A_622 = tpu.memref_squeeze %dma_start3A_621 : memref<1x80x128xf32, #tpu.memory_space<vmem>> -> memref<80x128xf32, #tpu.memory_space<vmem>>
      tpu.enqueue_dma source(%dma_start3A_622 : memref<80x128xf32, #tpu.memory_space<vmem>>) target(%dma_start3A_618 : memref<80x128xf32, #tpu.memory_space<hbm>>) target_semaphore(%arg13 : memref<!tpu.dma_semaphore, #tpu.memory_space<semaphore_mem>>)
      %add3A_623 = arith.constant 1 : i32
      %add3A_624 = arith.addi %add3A_561, %add3A_623 : i32
      %add3A_625 = arith.constant 2 : i32
      %add3A_626 = arith.addi %add3A_624, %add3A_625 : i32
      %sub3A_627 = arith.constant 5 : i32
      %sub3A_628 = arith.subi %add3A_626, %sub3A_627 : i32
      %mul3A_629 = arith.constant 80 : i32
      %mul3A_630 = arith.muli %sub3A_628, %mul3A_629 : i32
      %add3A_631 = arith.addi %mul3A_2, %mul3A_630 : i32
      %dma_wait3A_632 = arith.constant 3 : i32
      %dma_wait3A_633 = arith.constant 0 : i32
      %dma_wait3A_634 = arith.constant 0 : i32
      %dma_wait3A_635 = tpu.memref_slice %arg6[%dma_wait3A_632, %dma_wait3A_633, %dma_wait3A_634] : memref<5x80x128xf32, #tpu.memory_space<vmem>> -> memref<1x80x128xf32, #tpu.memory_space<vmem>>
      %dma_wait3A_636 = tpu.memref_squeeze %dma_wait3A_635 : memref<1x80x128xf32, #tpu.memory_space<vmem>> -> memref<80x128xf32, #tpu.memory_space<vmem>>
      %dma_wait3A_637 = arith.constant 0 : i32
      %dma_wait3A_638 = tpu.memref_slice %arg4[%add3A_631, %dma_wait3A_637] : memref<204800x128xf32, #tpu.memory_space<hbm>> -> memref<80x128xf32, #tpu.memory_space<hbm>>
      %dma_wait3A_639 = arith.constant 0 : i32
      %dma_wait3A_640 = tpu.memref_slice %arg4[%add3A_631, %dma_wait3A_639] : memref<204800x128xf32, #tpu.memory_space<hbm>> -> memref<80x128xf32, #tpu.memory_space<hbm>>
      %dma_wait3A_641 = arith.constant 0 : i32
      %dma_wait3A_642 = arith.constant 0 : i32
      %dma_wait3A_643 = tpu.memref_slice %arg6[%dma_wait3A_632, %dma_wait3A_641, %dma_wait3A_642] : memref<5x80x128xf32, #tpu.memory_space<vmem>> -> memref<1x80x128xf32, #tpu.memory_space<vmem>>
      %dma_wait3A_644 = tpu.memref_squeeze %dma_wait3A_643 : memref<1x80x128xf32, #tpu.memory_space<vmem>> -> memref<80x128xf32, #tpu.memory_space<vmem>>
      tpu.wait_dma2 semaphore(%arg16 : memref<!tpu.dma_semaphore, #tpu.memory_space<semaphore_mem>>) src(%dma_wait3A_644 : memref<80x128xf32, #tpu.memory_space<vmem>>) dst(%dma_wait3A_640 : memref<80x128xf32, #tpu.memory_space<hbm>>)
      %add3A_645 = arith.constant 2 : i32
      %add3A_646 = arith.addi %add3A_624, %add3A_645 : i32
      %dma_start3A_647 = arith.constant 3 : i32
      %dma_start3A_648 = arith.constant 0 : i32
      %dma_start3A_649 = arith.constant 0 : i32
      %dma_start3A_650 = tpu.memref_slice %arg6[%dma_start3A_647, %dma_start3A_648, %dma_start3A_649] : memref<5x80x128xf32, #tpu.memory_space<vmem>> -> memref<1x80x128xf32, #tpu.memory_space<vmem>>
      %dma_start3A_651 = tpu.memref_squeeze %dma_start3A_650 : memref<1x80x128xf32, #tpu.memory_space<vmem>> -> memref<80x128xf32, #tpu.memory_space<vmem>>
      %dma_start3A_652 = arith.constant 0 : i32
      %dma_start3A_653 = tpu.memref_slice %arg5[%add3A_646, %dma_start3A_652] : memref<80x80xi32, #tpu.memory_space<vmem>> -> memref<1x80xi32, #tpu.memory_space<vmem>>
      %dma_start3A_654 = tpu.memref_squeeze %dma_start3A_653 : memref<1x80xi32, #tpu.memory_space<vmem>> -> memref<80xi32, #tpu.memory_space<vmem>>
      %dma_start3A_655 = arith.constant 0 : i32
      %dma_start3A_656 = arith.constant 0 : i32
      %dma_start3A_657 = tpu.memref_slice %arg7[%dma_start3A_655, %dma_start3A_656] : memref<8192x128xf32, #tpu.memory_space<vmem_shared>> -> memref<8192x128xf32, #tpu.memory_space<vmem_shared>>
      tpu.enqueue_indirect_dma source(%dma_start3A_657 : memref<8192x128xf32, #tpu.memory_space<vmem_shared>>) target(%dma_start3A_651 : memref<80x128xf32, #tpu.memory_space<vmem>>) offsets(%dma_start3A_654 : memref<80xi32, #tpu.memory_space<vmem>>) semaphore(%arg11 : memref<!tpu.dma_semaphore, #tpu.memory_space<semaphore_mem>>)
      %dma_wait3A_658 = arith.constant 1 : i32
      %dma_wait3A_659 = arith.constant 0 : i32
      %dma_wait3A_660 = arith.constant 0 : i32
      %dma_wait3A_661 = tpu.memref_slice %arg6[%dma_wait3A_658, %dma_wait3A_659, %dma_wait3A_660] : memref<5x80x128xf32, #tpu.memory_space<vmem>> -> memref<1x80x128xf32, #tpu.memory_space<vmem>>
      %dma_wait3A_662 = tpu.memref_squeeze %dma_wait3A_661 : memref<1x80x128xf32, #tpu.memory_space<vmem>> -> memref<80x128xf32, #tpu.memory_space<vmem>>
      %dma_wait3A_663 = arith.constant 0 : i32
      %dma_wait3A_664 = tpu.memref_slice %arg5[%add3A_624, %dma_wait3A_663] : memref<80x80xi32, #tpu.memory_space<vmem>> -> memref<1x80xi32, #tpu.memory_space<vmem>>
      %dma_wait3A_665 = tpu.memref_squeeze %dma_wait3A_664 : memref<1x80xi32, #tpu.memory_space<vmem>> -> memref<80xi32, #tpu.memory_space<vmem>>
      %dma_wait3A_666 = arith.constant 0 : i32
      %dma_wait3A_667 = arith.constant 0 : i32
      %dma_wait3A_668 = tpu.memref_slice %arg7[%dma_wait3A_666, %dma_wait3A_667] : memref<8192x128xf32, #tpu.memory_space<vmem_shared>> -> memref<8192x128xf32, #tpu.memory_space<vmem_shared>>
      tpu.wait_indirect_dma semaphore(%arg9 : memref<!tpu.dma_semaphore, #tpu.memory_space<semaphore_mem>>) src(%dma_wait3A_668 : memref<8192x128xf32, #tpu.memory_space<vmem_shared>>) dst(%dma_wait3A_662 : memref<80x128xf32, #tpu.memory_space<vmem>>)
      %mul3A_669 = arith.constant 80 : i32
      %mul3A_670 = arith.muli %add3A_624, %mul3A_669 : i32
      %add3A_671 = arith.addi %mul3A_2, %mul3A_670 : i32
      %dma_start3A_672 = arith.constant 1 : i32
      %dma_start3A_673 = arith.constant 0 : i32
      %dma_start3A_674 = arith.constant 0 : i32
      %dma_start3A_675 = tpu.memref_slice %arg6[%dma_start3A_672, %dma_start3A_673, %dma_start3A_674] : memref<5x80x128xf32, #tpu.memory_space<vmem>> -> memref<1x80x128xf32, #tpu.memory_space<vmem>>
      %dma_start3A_676 = tpu.memref_squeeze %dma_start3A_675 : memref<1x80x128xf32, #tpu.memory_space<vmem>> -> memref<80x128xf32, #tpu.memory_space<vmem>>
      %dma_start3A_677 = arith.constant 0 : i32
      %dma_start3A_678 = tpu.memref_slice %arg4[%add3A_671, %dma_start3A_677] : memref<204800x128xf32, #tpu.memory_space<hbm>> -> memref<80x128xf32, #tpu.memory_space<hbm>>
      %dma_start3A_679 = arith.constant 0 : i32
      %dma_start3A_680 = tpu.memref_slice %arg4[%add3A_671, %dma_start3A_679] : memref<204800x128xf32, #tpu.memory_space<hbm>> -> memref<80x128xf32, #tpu.memory_space<hbm>>
      %dma_start3A_681 = arith.constant 0 : i32
      %dma_start3A_682 = arith.constant 0 : i32
      %dma_start3A_683 = tpu.memref_slice %arg6[%dma_start3A_672, %dma_start3A_681, %dma_start3A_682] : memref<5x80x128xf32, #tpu.memory_space<vmem>> -> memref<1x80x128xf32, #tpu.memory_space<vmem>>
      %dma_start3A_684 = tpu.memref_squeeze %dma_start3A_683 : memref<1x80x128xf32, #tpu.memory_space<vmem>> -> memref<80x128xf32, #tpu.memory_space<vmem>>
      tpu.enqueue_dma source(%dma_start3A_684 : memref<80x128xf32, #tpu.memory_space<vmem>>) target(%dma_start3A_680 : memref<80x128xf32, #tpu.memory_space<hbm>>) target_semaphore(%arg14 : memref<!tpu.dma_semaphore, #tpu.memory_space<semaphore_mem>>)
      %add3A_685 = arith.constant 2 : i32
      %add3A_686 = arith.addi %add3A_561, %add3A_685 : i32
      %add3A_687 = arith.constant 2 : i32
      %add3A_688 = arith.addi %add3A_686, %add3A_687 : i32
      %sub3A_689 = arith.constant 5 : i32
      %sub3A_690 = arith.subi %add3A_688, %sub3A_689 : i32
      %mul3A_691 = arith.constant 80 : i32
      %mul3A_692 = arith.muli %sub3A_690, %mul3A_691 : i32
      %add3A_693 = arith.addi %mul3A_2, %mul3A_692 : i32
      %dma_wait3A_694 = arith.constant 4 : i32
      %dma_wait3A_695 = arith.constant 0 : i32
      %dma_wait3A_696 = arith.constant 0 : i32
      %dma_wait3A_697 = tpu.memref_slice %arg6[%dma_wait3A_694, %dma_wait3A_695, %dma_wait3A_696] : memref<5x80x128xf32, #tpu.memory_space<vmem>> -> memref<1x80x128xf32, #tpu.memory_space<vmem>>
      %dma_wait3A_698 = tpu.memref_squeeze %dma_wait3A_697 : memref<1x80x128xf32, #tpu.memory_space<vmem>> -> memref<80x128xf32, #tpu.memory_space<vmem>>
      %dma_wait3A_699 = arith.constant 0 : i32
      %dma_wait3A_700 = tpu.memref_slice %arg4[%add3A_693, %dma_wait3A_699] : memref<204800x128xf32, #tpu.memory_space<hbm>> -> memref<80x128xf32, #tpu.memory_space<hbm>>
      %dma_wait3A_701 = arith.constant 0 : i32
      %dma_wait3A_702 = tpu.memref_slice %arg4[%add3A_693, %dma_wait3A_701] : memref<204800x128xf32, #tpu.memory_space<hbm>> -> memref<80x128xf32, #tpu.memory_space<hbm>>
      %dma_wait3A_703 = arith.constant 0 : i32
      %dma_wait3A_704 = arith.constant 0 : i32
      %dma_wait3A_705 = tpu.memref_slice %arg6[%dma_wait3A_694, %dma_wait3A_703, %dma_wait3A_704] : memref<5x80x128xf32, #tpu.memory_space<vmem>> -> memref<1x80x128xf32, #tpu.memory_space<vmem>>
      %dma_wait3A_706 = tpu.memref_squeeze %dma_wait3A_705 : memref<1x80x128xf32, #tpu.memory_space<vmem>> -> memref<80x128xf32, #tpu.memory_space<vmem>>
      tpu.wait_dma2 semaphore(%arg17 : memref<!tpu.dma_semaphore, #tpu.memory_space<semaphore_mem>>) src(%dma_wait3A_706 : memref<80x128xf32, #tpu.memory_space<vmem>>) dst(%dma_wait3A_702 : memref<80x128xf32, #tpu.memory_space<hbm>>)
      %add3A_707 = arith.constant 2 : i32
      %add3A_708 = arith.addi %add3A_686, %add3A_707 : i32
      %dma_start3A_709 = arith.constant 4 : i32
      %dma_start3A_710 = arith.constant 0 : i32
      %dma_start3A_711 = arith.constant 0 : i32
      %dma_start3A_712 = tpu.memref_slice %arg6[%dma_start3A_709, %dma_start3A_710, %dma_start3A_711] : memref<5x80x128xf32, #tpu.memory_space<vmem>> -> memref<1x80x128xf32, #tpu.memory_space<vmem>>
      %dma_start3A_713 = tpu.memref_squeeze %dma_start3A_712 : memref<1x80x128xf32, #tpu.memory_space<vmem>> -> memref<80x128xf32, #tpu.memory_space<vmem>>
      %dma_start3A_714 = arith.constant 0 : i32
      %dma_start3A_715 = tpu.memref_slice %arg5[%add3A_708, %dma_start3A_714] : memref<80x80xi32, #tpu.memory_space<vmem>> -> memref<1x80xi32, #tpu.memory_space<vmem>>
      %dma_start3A_716 = tpu.memref_squeeze %dma_start3A_715 : memref<1x80xi32, #tpu.memory_space<vmem>> -> memref<80xi32, #tpu.memory_space<vmem>>
      %dma_start3A_717 = arith.constant 0 : i32
      %dma_start3A_718 = arith.constant 0 : i32
      %dma_start3A_719 = tpu.memref_slice %arg7[%dma_start3A_717, %dma_start3A_718] : memref<8192x128xf32, #tpu.memory_space<vmem_shared>> -> memref<8192x128xf32, #tpu.memory_space<vmem_shared>>
      tpu.enqueue_indirect_dma source(%dma_start3A_719 : memref<8192x128xf32, #tpu.memory_space<vmem_shared>>) target(%dma_start3A_713 : memref<80x128xf32, #tpu.memory_space<vmem>>) offsets(%dma_start3A_716 : memref<80xi32, #tpu.memory_space<vmem>>) semaphore(%arg12 : memref<!tpu.dma_semaphore, #tpu.memory_space<semaphore_mem>>)
      %dma_wait3A_720 = arith.constant 2 : i32
      %dma_wait3A_721 = arith.constant 0 : i32
      %dma_wait3A_722 = arith.constant 0 : i32
      %dma_wait3A_723 = tpu.memref_slice %arg6[%dma_wait3A_720, %dma_wait3A_721, %dma_wait3A_722] : memref<5x80x128xf32, #tpu.memory_space<vmem>> -> memref<1x80x128xf32, #tpu.memory_space<vmem>>
      %dma_wait3A_724 = tpu.memref_squeeze %dma_wait3A_723 : memref<1x80x128xf32, #tpu.memory_space<vmem>> -> memref<80x128xf32, #tpu.memory_space<vmem>>
      %dma_wait3A_725 = arith.constant 0 : i32
      %dma_wait3A_726 = tpu.memref_slice %arg5[%add3A_686, %dma_wait3A_725] : memref<80x80xi32, #tpu.memory_space<vmem>> -> memref<1x80xi32, #tpu.memory_space<vmem>>
      %dma_wait3A_727 = tpu.memref_squeeze %dma_wait3A_726 : memref<1x80xi32, #tpu.memory_space<vmem>> -> memref<80xi32, #tpu.memory_space<vmem>>
      %dma_wait3A_728 = arith.constant 0 : i32
      %dma_wait3A_729 = arith.constant 0 : i32
      %dma_wait3A_730 = tpu.memref_slice %arg7[%dma_wait3A_728, %dma_wait3A_729] : memref<8192x128xf32, #tpu.memory_space<vmem_shared>> -> memref<8192x128xf32, #tpu.memory_space<vmem_shared>>
      tpu.wait_indirect_dma semaphore(%arg10 : memref<!tpu.dma_semaphore, #tpu.memory_space<semaphore_mem>>) src(%dma_wait3A_730 : memref<8192x128xf32, #tpu.memory_space<vmem_shared>>) dst(%dma_wait3A_724 : memref<80x128xf32, #tpu.memory_space<vmem>>)
      %mul3A_731 = arith.constant 80 : i32
      %mul3A_732 = arith.muli %add3A_686, %mul3A_731 : i32
      %add3A_733 = arith.addi %mul3A_2, %mul3A_732 : i32
      %dma_start3A_734 = arith.constant 2 : i32
      %dma_start3A_735 = arith.constant 0 : i32
      %dma_start3A_736 = arith.constant 0 : i32
      %dma_start3A_737 = tpu.memref_slice %arg6[%dma_start3A_734, %dma_start3A_735, %dma_start3A_736] : memref<5x80x128xf32, #tpu.memory_space<vmem>> -> memref<1x80x128xf32, #tpu.memory_space<vmem>>
      %dma_start3A_738 = tpu.memref_squeeze %dma_start3A_737 : memref<1x80x128xf32, #tpu.memory_space<vmem>> -> memref<80x128xf32, #tpu.memory_space<vmem>>
      %dma_start3A_739 = arith.constant 0 : i32
      %dma_start3A_740 = tpu.memref_slice %arg4[%add3A_733, %dma_start3A_739] : memref<204800x128xf32, #tpu.memory_space<hbm>> -> memref<80x128xf32, #tpu.memory_space<hbm>>
      %dma_start3A_741 = arith.constant 0 : i32
      %dma_start3A_742 = tpu.memref_slice %arg4[%add3A_733, %dma_start3A_741] : memref<204800x128xf32, #tpu.memory_space<hbm>> -> memref<80x128xf32, #tpu.memory_space<hbm>>
      %dma_start3A_743 = arith.constant 0 : i32
      %dma_start3A_744 = arith.constant 0 : i32
      %dma_start3A_745 = tpu.memref_slice %arg6[%dma_start3A_734, %dma_start3A_743, %dma_start3A_744] : memref<5x80x128xf32, #tpu.memory_space<vmem>> -> memref<1x80x128xf32, #tpu.memory_space<vmem>>
      %dma_start3A_746 = tpu.memref_squeeze %dma_start3A_745 : memref<1x80x128xf32, #tpu.memory_space<vmem>> -> memref<80x128xf32, #tpu.memory_space<vmem>>
      tpu.enqueue_dma source(%dma_start3A_746 : memref<80x128xf32, #tpu.memory_space<vmem>>) target(%dma_start3A_742 : memref<80x128xf32, #tpu.memory_space<hbm>>) target_semaphore(%arg15 : memref<!tpu.dma_semaphore, #tpu.memory_space<semaphore_mem>>)
      %add3A_747 = arith.constant 3 : i32
      %add3A_748 = arith.addi %add3A_561, %add3A_747 : i32
      %add3A_749 = arith.constant 2 : i32
      %add3A_750 = arith.addi %add3A_748, %add3A_749 : i32
      %sub3A_751 = arith.constant 5 : i32
      %sub3A_752 = arith.subi %add3A_750, %sub3A_751 : i32
      %mul3A_753 = arith.constant 80 : i32
      %mul3A_754 = arith.muli %sub3A_752, %mul3A_753 : i32
      %add3A_755 = arith.addi %mul3A_2, %mul3A_754 : i32
      %dma_wait3A_756 = arith.constant 0 : i32
      %dma_wait3A_757 = arith.constant 0 : i32
      %dma_wait3A_758 = arith.constant 0 : i32
      %dma_wait3A_759 = tpu.memref_slice %arg6[%dma_wait3A_756, %dma_wait3A_757, %dma_wait3A_758] : memref<5x80x128xf32, #tpu.memory_space<vmem>> -> memref<1x80x128xf32, #tpu.memory_space<vmem>>
      %dma_wait3A_760 = tpu.memref_squeeze %dma_wait3A_759 : memref<1x80x128xf32, #tpu.memory_space<vmem>> -> memref<80x128xf32, #tpu.memory_space<vmem>>
      %dma_wait3A_761 = arith.constant 0 : i32
      %dma_wait3A_762 = tpu.memref_slice %arg4[%add3A_755, %dma_wait3A_761] : memref<204800x128xf32, #tpu.memory_space<hbm>> -> memref<80x128xf32, #tpu.memory_space<hbm>>
      %dma_wait3A_763 = arith.constant 0 : i32
      %dma_wait3A_764 = tpu.memref_slice %arg4[%add3A_755, %dma_wait3A_763] : memref<204800x128xf32, #tpu.memory_space<hbm>> -> memref<80x128xf32, #tpu.memory_space<hbm>>
      %dma_wait3A_765 = arith.constant 0 : i32
      %dma_wait3A_766 = arith.constant 0 : i32
      %dma_wait3A_767 = tpu.memref_slice %arg6[%dma_wait3A_756, %dma_wait3A_765, %dma_wait3A_766] : memref<5x80x128xf32, #tpu.memory_space<vmem>> -> memref<1x80x128xf32, #tpu.memory_space<vmem>>
      %dma_wait3A_768 = tpu.memref_squeeze %dma_wait3A_767 : memref<1x80x128xf32, #tpu.memory_space<vmem>> -> memref<80x128xf32, #tpu.memory_space<vmem>>
      tpu.wait_dma2 semaphore(%arg13 : memref<!tpu.dma_semaphore, #tpu.memory_space<semaphore_mem>>) src(%dma_wait3A_768 : memref<80x128xf32, #tpu.memory_space<vmem>>) dst(%dma_wait3A_764 : memref<80x128xf32, #tpu.memory_space<hbm>>)
      %add3A_769 = arith.constant 2 : i32
      %add3A_770 = arith.addi %add3A_748, %add3A_769 : i32
      %dma_start3A_771 = arith.constant 0 : i32
      %dma_start3A_772 = arith.constant 0 : i32
      %dma_start3A_773 = arith.constant 0 : i32
      %dma_start3A_774 = tpu.memref_slice %arg6[%dma_start3A_771, %dma_start3A_772, %dma_start3A_773] : memref<5x80x128xf32, #tpu.memory_space<vmem>> -> memref<1x80x128xf32, #tpu.memory_space<vmem>>
      %dma_start3A_775 = tpu.memref_squeeze %dma_start3A_774 : memref<1x80x128xf32, #tpu.memory_space<vmem>> -> memref<80x128xf32, #tpu.memory_space<vmem>>
      %dma_start3A_776 = arith.constant 0 : i32
      %dma_start3A_777 = tpu.memref_slice %arg5[%add3A_770, %dma_start3A_776] : memref<80x80xi32, #tpu.memory_space<vmem>> -> memref<1x80xi32, #tpu.memory_space<vmem>>
      %dma_start3A_778 = tpu.memref_squeeze %dma_start3A_777 : memref<1x80xi32, #tpu.memory_space<vmem>> -> memref<80xi32, #tpu.memory_space<vmem>>
      %dma_start3A_779 = arith.constant 0 : i32
      %dma_start3A_780 = arith.constant 0 : i32
      %dma_start3A_781 = tpu.memref_slice %arg7[%dma_start3A_779, %dma_start3A_780] : memref<8192x128xf32, #tpu.memory_space<vmem_shared>> -> memref<8192x128xf32, #tpu.memory_space<vmem_shared>>
      tpu.enqueue_indirect_dma source(%dma_start3A_781 : memref<8192x128xf32, #tpu.memory_space<vmem_shared>>) target(%dma_start3A_775 : memref<80x128xf32, #tpu.memory_space<vmem>>) offsets(%dma_start3A_778 : memref<80xi32, #tpu.memory_space<vmem>>) semaphore(%arg8 : memref<!tpu.dma_semaphore, #tpu.memory_space<semaphore_mem>>)
      %dma_wait3A_782 = arith.constant 3 : i32
      %dma_wait3A_783 = arith.constant 0 : i32
      %dma_wait3A_784 = arith.constant 0 : i32
      %dma_wait3A_785 = tpu.memref_slice %arg6[%dma_wait3A_782, %dma_wait3A_783, %dma_wait3A_784] : memref<5x80x128xf32, #tpu.memory_space<vmem>> -> memref<1x80x128xf32, #tpu.memory_space<vmem>>
      %dma_wait3A_786 = tpu.memref_squeeze %dma_wait3A_785 : memref<1x80x128xf32, #tpu.memory_space<vmem>> -> memref<80x128xf32, #tpu.memory_space<vmem>>
      %dma_wait3A_787 = arith.constant 0 : i32
      %dma_wait3A_788 = tpu.memref_slice %arg5[%add3A_748, %dma_wait3A_787] : memref<80x80xi32, #tpu.memory_space<vmem>> -> memref<1x80xi32, #tpu.memory_space<vmem>>
      %dma_wait3A_789 = tpu.memref_squeeze %dma_wait3A_788 : memref<1x80xi32, #tpu.memory_space<vmem>> -> memref<80xi32, #tpu.memory_space<vmem>>
      %dma_wait3A_790 = arith.constant 0 : i32
      %dma_wait3A_791 = arith.constant 0 : i32
      %dma_wait3A_792 = tpu.memref_slice %arg7[%dma_wait3A_790, %dma_wait3A_791] : memref<8192x128xf32, #tpu.memory_space<vmem_shared>> -> memref<8192x128xf32, #tpu.memory_space<vmem_shared>>
      tpu.wait_indirect_dma semaphore(%arg11 : memref<!tpu.dma_semaphore, #tpu.memory_space<semaphore_mem>>) src(%dma_wait3A_792 : memref<8192x128xf32, #tpu.memory_space<vmem_shared>>) dst(%dma_wait3A_786 : memref<80x128xf32, #tpu.memory_space<vmem>>)
      %mul3A_793 = arith.constant 80 : i32
      %mul3A_794 = arith.muli %add3A_748, %mul3A_793 : i32
      %add3A_795 = arith.addi %mul3A_2, %mul3A_794 : i32
      %dma_start3A_796 = arith.constant 3 : i32
      %dma_start3A_797 = arith.constant 0 : i32
      %dma_start3A_798 = arith.constant 0 : i32
      %dma_start3A_799 = tpu.memref_slice %arg6[%dma_start3A_796, %dma_start3A_797, %dma_start3A_798] : memref<5x80x128xf32, #tpu.memory_space<vmem>> -> memref<1x80x128xf32, #tpu.memory_space<vmem>>
      %dma_start3A_800 = tpu.memref_squeeze %dma_start3A_799 : memref<1x80x128xf32, #tpu.memory_space<vmem>> -> memref<80x128xf32, #tpu.memory_space<vmem>>
      %dma_start3A_801 = arith.constant 0 : i32
      %dma_start3A_802 = tpu.memref_slice %arg4[%add3A_795, %dma_start3A_801] : memref<204800x128xf32, #tpu.memory_space<hbm>> -> memref<80x128xf32, #tpu.memory_space<hbm>>
      %dma_start3A_803 = arith.constant 0 : i32
      %dma_start3A_804 = tpu.memref_slice %arg4[%add3A_795, %dma_start3A_803] : memref<204800x128xf32, #tpu.memory_space<hbm>> -> memref<80x128xf32, #tpu.memory_space<hbm>>
      %dma_start3A_805 = arith.constant 0 : i32
      %dma_start3A_806 = arith.constant 0 : i32
      %dma_start3A_807 = tpu.memref_slice %arg6[%dma_start3A_796, %dma_start3A_805, %dma_start3A_806] : memref<5x80x128xf32, #tpu.memory_space<vmem>> -> memref<1x80x128xf32, #tpu.memory_space<vmem>>
      %dma_start3A_808 = tpu.memref_squeeze %dma_start3A_807 : memref<1x80x128xf32, #tpu.memory_space<vmem>> -> memref<80x128xf32, #tpu.memory_space<vmem>>
      tpu.enqueue_dma source(%dma_start3A_808 : memref<80x128xf32, #tpu.memory_space<vmem>>) target(%dma_start3A_804 : memref<80x128xf32, #tpu.memory_space<hbm>>) target_semaphore(%arg16 : memref<!tpu.dma_semaphore, #tpu.memory_space<semaphore_mem>>)
      %add3A_809 = arith.constant 4 : i32
      %add3A_810 = arith.addi %add3A_561, %add3A_809 : i32
      %add3A_811 = arith.constant 2 : i32
      %add3A_812 = arith.addi %add3A_810, %add3A_811 : i32
      %sub3A_813 = arith.constant 5 : i32
      %sub3A_814 = arith.subi %add3A_812, %sub3A_813 : i32
      %mul3A_815 = arith.constant 80 : i32
      %mul3A_816 = arith.muli %sub3A_814, %mul3A_815 : i32
      %add3A_817 = arith.addi %mul3A_2, %mul3A_816 : i32
      %dma_wait3A_818 = arith.constant 1 : i32
      %dma_wait3A_819 = arith.constant 0 : i32
      %dma_wait3A_820 = arith.constant 0 : i32
      %dma_wait3A_821 = tpu.memref_slice %arg6[%dma_wait3A_818, %dma_wait3A_819, %dma_wait3A_820] : memref<5x80x128xf32, #tpu.memory_space<vmem>> -> memref<1x80x128xf32, #tpu.memory_space<vmem>>
      %dma_wait3A_822 = tpu.memref_squeeze %dma_wait3A_821 : memref<1x80x128xf32, #tpu.memory_space<vmem>> -> memref<80x128xf32, #tpu.memory_space<vmem>>
      %dma_wait3A_823 = arith.constant 0 : i32
      %dma_wait3A_824 = tpu.memref_slice %arg4[%add3A_817, %dma_wait3A_823] : memref<204800x128xf32, #tpu.memory_space<hbm>> -> memref<80x128xf32, #tpu.memory_space<hbm>>
      %dma_wait3A_825 = arith.constant 0 : i32
      %dma_wait3A_826 = tpu.memref_slice %arg4[%add3A_817, %dma_wait3A_825] : memref<204800x128xf32, #tpu.memory_space<hbm>> -> memref<80x128xf32, #tpu.memory_space<hbm>>
      %dma_wait3A_827 = arith.constant 0 : i32
      %dma_wait3A_828 = arith.constant 0 : i32
      %dma_wait3A_829 = tpu.memref_slice %arg6[%dma_wait3A_818, %dma_wait3A_827, %dma_wait3A_828] : memref<5x80x128xf32, #tpu.memory_space<vmem>> -> memref<1x80x128xf32, #tpu.memory_space<vmem>>
      %dma_wait3A_830 = tpu.memref_squeeze %dma_wait3A_829 : memref<1x80x128xf32, #tpu.memory_space<vmem>> -> memref<80x128xf32, #tpu.memory_space<vmem>>
      tpu.wait_dma2 semaphore(%arg14 : memref<!tpu.dma_semaphore, #tpu.memory_space<semaphore_mem>>) src(%dma_wait3A_830 : memref<80x128xf32, #tpu.memory_space<vmem>>) dst(%dma_wait3A_826 : memref<80x128xf32, #tpu.memory_space<hbm>>)
      %add3A_831 = arith.constant 2 : i32
      %add3A_832 = arith.addi %add3A_810, %add3A_831 : i32
      %dma_start3A_833 = arith.constant 1 : i32
      %dma_start3A_834 = arith.constant 0 : i32
      %dma_start3A_835 = arith.constant 0 : i32
      %dma_start3A_836 = tpu.memref_slice %arg6[%dma_start3A_833, %dma_start3A_834, %dma_start3A_835] : memref<5x80x128xf32, #tpu.memory_space<vmem>> -> memref<1x80x128xf32, #tpu.memory_space<vmem>>
      %dma_start3A_837 = tpu.memref_squeeze %dma_start3A_836 : memref<1x80x128xf32, #tpu.memory_space<vmem>> -> memref<80x128xf32, #tpu.memory_space<vmem>>
      %dma_start3A_838 = arith.constant 0 : i32
      %dma_start3A_839 = tpu.memref_slice %arg5[%add3A_832, %dma_start3A_838] : memref<80x80xi32, #tpu.memory_space<vmem>> -> memref<1x80xi32, #tpu.memory_space<vmem>>
      %dma_start3A_840 = tpu.memref_squeeze %dma_start3A_839 : memref<1x80xi32, #tpu.memory_space<vmem>> -> memref<80xi32, #tpu.memory_space<vmem>>
      %dma_start3A_841 = arith.constant 0 : i32
      %dma_start3A_842 = arith.constant 0 : i32
      %dma_start3A_843 = tpu.memref_slice %arg7[%dma_start3A_841, %dma_start3A_842] : memref<8192x128xf32, #tpu.memory_space<vmem_shared>> -> memref<8192x128xf32, #tpu.memory_space<vmem_shared>>
      tpu.enqueue_indirect_dma source(%dma_start3A_843 : memref<8192x128xf32, #tpu.memory_space<vmem_shared>>) target(%dma_start3A_837 : memref<80x128xf32, #tpu.memory_space<vmem>>) offsets(%dma_start3A_840 : memref<80xi32, #tpu.memory_space<vmem>>) semaphore(%arg9 : memref<!tpu.dma_semaphore, #tpu.memory_space<semaphore_mem>>)
      %dma_wait3A_844 = arith.constant 4 : i32
      %dma_wait3A_845 = arith.constant 0 : i32
      %dma_wait3A_846 = arith.constant 0 : i32
      %dma_wait3A_847 = tpu.memref_slice %arg6[%dma_wait3A_844, %dma_wait3A_845, %dma_wait3A_846] : memref<5x80x128xf32, #tpu.memory_space<vmem>> -> memref<1x80x128xf32, #tpu.memory_space<vmem>>
      %dma_wait3A_848 = tpu.memref_squeeze %dma_wait3A_847 : memref<1x80x128xf32, #tpu.memory_space<vmem>> -> memref<80x128xf32, #tpu.memory_space<vmem>>
      %dma_wait3A_849 = arith.constant 0 : i32
      %dma_wait3A_850 = tpu.memref_slice %arg5[%add3A_810, %dma_wait3A_849] : memref<80x80xi32, #tpu.memory_space<vmem>> -> memref<1x80xi32, #tpu.memory_space<vmem>>
      %dma_wait3A_851 = tpu.memref_squeeze %dma_wait3A_850 : memref<1x80xi32, #tpu.memory_space<vmem>> -> memref<80xi32, #tpu.memory_space<vmem>>
      %dma_wait3A_852 = arith.constant 0 : i32
      %dma_wait3A_853 = arith.constant 0 : i32
      %dma_wait3A_854 = tpu.memref_slice %arg7[%dma_wait3A_852, %dma_wait3A_853] : memref<8192x128xf32, #tpu.memory_space<vmem_shared>> -> memref<8192x128xf32, #tpu.memory_space<vmem_shared>>
      tpu.wait_indirect_dma semaphore(%arg12 : memref<!tpu.dma_semaphore, #tpu.memory_space<semaphore_mem>>) src(%dma_wait3A_854 : memref<8192x128xf32, #tpu.memory_space<vmem_shared>>) dst(%dma_wait3A_848 : memref<80x128xf32, #tpu.memory_space<vmem>>)
      %mul3A_855 = arith.constant 80 : i32
      %mul3A_856 = arith.muli %add3A_810, %mul3A_855 : i32
      %add3A_857 = arith.addi %mul3A_2, %mul3A_856 : i32
      %dma_start3A_858 = arith.constant 4 : i32
      %dma_start3A_859 = arith.constant 0 : i32
      %dma_start3A_860 = arith.constant 0 : i32
      %dma_start3A_861 = tpu.memref_slice %arg6[%dma_start3A_858, %dma_start3A_859, %dma_start3A_860] : memref<5x80x128xf32, #tpu.memory_space<vmem>> -> memref<1x80x128xf32, #tpu.memory_space<vmem>>
      %dma_start3A_862 = tpu.memref_squeeze %dma_start3A_861 : memref<1x80x128xf32, #tpu.memory_space<vmem>> -> memref<80x128xf32, #tpu.memory_space<vmem>>
      %dma_start3A_863 = arith.constant 0 : i32
      %dma_start3A_864 = tpu.memref_slice %arg4[%add3A_857, %dma_start3A_863] : memref<204800x128xf32, #tpu.memory_space<hbm>> -> memref<80x128xf32, #tpu.memory_space<hbm>>
      %dma_start3A_865 = arith.constant 0 : i32
      %dma_start3A_866 = tpu.memref_slice %arg4[%add3A_857, %dma_start3A_865] : memref<204800x128xf32, #tpu.memory_space<hbm>> -> memref<80x128xf32, #tpu.memory_space<hbm>>
      %dma_start3A_867 = arith.constant 0 : i32
      %dma_start3A_868 = arith.constant 0 : i32
      %dma_start3A_869 = tpu.memref_slice %arg6[%dma_start3A_858, %dma_start3A_867, %dma_start3A_868] : memref<5x80x128xf32, #tpu.memory_space<vmem>> -> memref<1x80x128xf32, #tpu.memory_space<vmem>>
      %dma_start3A_870 = tpu.memref_squeeze %dma_start3A_869 : memref<1x80x128xf32, #tpu.memory_space<vmem>> -> memref<80x128xf32, #tpu.memory_space<vmem>>
      tpu.enqueue_dma source(%dma_start3A_870 : memref<80x128xf32, #tpu.memory_space<vmem>>) target(%dma_start3A_866 : memref<80x128xf32, #tpu.memory_space<hbm>>) target_semaphore(%arg17 : memref<!tpu.dma_semaphore, #tpu.memory_space<semaphore_mem>>)
    }
    %scan3A_265 = arith.constant 14 : i32
    %add3A_266 = arith.constant 5760 : i32
    %add3A_267 = arith.addi %mul3A_2, %add3A_266 : i32
    %dma_wait3A_268 = arith.constant 2 : i32
    %dma_wait3A_269 = arith.constant 0 : i32
    %dma_wait3A_270 = arith.constant 0 : i32
    %dma_wait3A_271 = tpu.memref_slice %arg6[%dma_wait3A_268, %dma_wait3A_269, %dma_wait3A_270] : memref<5x80x128xf32, #tpu.memory_space<vmem>> -> memref<1x80x128xf32, #tpu.memory_space<vmem>>
    %dma_wait3A_272 = tpu.memref_squeeze %dma_wait3A_271 : memref<1x80x128xf32, #tpu.memory_space<vmem>> -> memref<80x128xf32, #tpu.memory_space<vmem>>
    %dma_wait3A_273 = arith.constant 0 : i32
    %dma_wait3A_274 = tpu.memref_slice %arg4[%add3A_267, %dma_wait3A_273] : memref<204800x128xf32, #tpu.memory_space<hbm>> -> memref<80x128xf32, #tpu.memory_space<hbm>>
    %dma_wait3A_275 = arith.constant 0 : i32
    %dma_wait3A_276 = tpu.memref_slice %arg4[%add3A_267, %dma_wait3A_275] : memref<204800x128xf32, #tpu.memory_space<hbm>> -> memref<80x128xf32, #tpu.memory_space<hbm>>
    %dma_wait3A_277 = arith.constant 0 : i32
    %dma_wait3A_278 = arith.constant 0 : i32
    %dma_wait3A_279 = tpu.memref_slice %arg6[%dma_wait3A_268, %dma_wait3A_277, %dma_wait3A_278] : memref<5x80x128xf32, #tpu.memory_space<vmem>> -> memref<1x80x128xf32, #tpu.memory_space<vmem>>
    %dma_wait3A_280 = tpu.memref_squeeze %dma_wait3A_279 : memref<1x80x128xf32, #tpu.memory_space<vmem>> -> memref<80x128xf32, #tpu.memory_space<vmem>>
    tpu.wait_dma2 semaphore(%arg15 : memref<!tpu.dma_semaphore, #tpu.memory_space<semaphore_mem>>) src(%dma_wait3A_280 : memref<80x128xf32, #tpu.memory_space<vmem>>) dst(%dma_wait3A_276 : memref<80x128xf32, #tpu.memory_space<hbm>>)
    %dma_start3A_281 = arith.constant 77 : i32
    %dma_start3A_282 = arith.constant 2 : i32
    %dma_start3A_283 = arith.constant 0 : i32
    %dma_start3A_284 = arith.constant 0 : i32
    %dma_start3A_285 = tpu.memref_slice %arg6[%dma_start3A_282, %dma_start3A_283, %dma_start3A_284] : memref<5x80x128xf32, #tpu.memory_space<vmem>> -> memref<1x80x128xf32, #tpu.memory_space<vmem>>
    %dma_start3A_286 = tpu.memref_squeeze %dma_start3A_285 : memref<1x80x128xf32, #tpu.memory_space<vmem>> -> memref<80x128xf32, #tpu.memory_space<vmem>>
    %dma_start3A_287 = arith.constant 0 : i32
    %dma_start3A_288 = tpu.memref_slice %arg5[%dma_start3A_281, %dma_start3A_287] : memref<80x80xi32, #tpu.memory_space<vmem>> -> memref<1x80xi32, #tpu.memory_space<vmem>>
    %dma_start3A_289 = tpu.memref_squeeze %dma_start3A_288 : memref<1x80xi32, #tpu.memory_space<vmem>> -> memref<80xi32, #tpu.memory_space<vmem>>
    %dma_start3A_290 = arith.constant 0 : i32
    %dma_start3A_291 = arith.constant 0 : i32
    %dma_start3A_292 = tpu.memref_slice %arg7[%dma_start3A_290, %dma_start3A_291] : memref<8192x128xf32, #tpu.memory_space<vmem_shared>> -> memref<8192x128xf32, #tpu.memory_space<vmem_shared>>
    tpu.enqueue_indirect_dma source(%dma_start3A_292 : memref<8192x128xf32, #tpu.memory_space<vmem_shared>>) target(%dma_start3A_286 : memref<80x128xf32, #tpu.memory_space<vmem>>) offsets(%dma_start3A_289 : memref<80xi32, #tpu.memory_space<vmem>>) semaphore(%arg10 : memref<!tpu.dma_semaphore, #tpu.memory_space<semaphore_mem>>)
    %dma_wait3A_293 = arith.constant 75 : i32
    %dma_wait3A_294 = arith.constant 0 : i32
    %dma_wait3A_295 = arith.constant 0 : i32
    %dma_wait3A_296 = arith.constant 0 : i32
    %dma_wait3A_297 = tpu.memref_slice %arg6[%dma_wait3A_294, %dma_wait3A_295, %dma_wait3A_296] : memref<5x80x128xf32, #tpu.memory_space<vmem>> -> memref<1x80x128xf32, #tpu.memory_space<vmem>>
    %dma_wait3A_298 = tpu.memref_squeeze %dma_wait3A_297 : memref<1x80x128xf32, #tpu.memory_space<vmem>> -> memref<80x128xf32, #tpu.memory_space<vmem>>
    %dma_wait3A_299 = arith.constant 0 : i32
    %dma_wait3A_300 = tpu.memref_slice %arg5[%dma_wait3A_293, %dma_wait3A_299] : memref<80x80xi32, #tpu.memory_space<vmem>> -> memref<1x80xi32, #tpu.memory_space<vmem>>
    %dma_wait3A_301 = tpu.memref_squeeze %dma_wait3A_300 : memref<1x80xi32, #tpu.memory_space<vmem>> -> memref<80xi32, #tpu.memory_space<vmem>>
    %dma_wait3A_302 = arith.constant 0 : i32
    %dma_wait3A_303 = arith.constant 0 : i32
    %dma_wait3A_304 = tpu.memref_slice %arg7[%dma_wait3A_302, %dma_wait3A_303] : memref<8192x128xf32, #tpu.memory_space<vmem_shared>> -> memref<8192x128xf32, #tpu.memory_space<vmem_shared>>
    tpu.wait_indirect_dma semaphore(%arg8 : memref<!tpu.dma_semaphore, #tpu.memory_space<semaphore_mem>>) src(%dma_wait3A_304 : memref<8192x128xf32, #tpu.memory_space<vmem_shared>>) dst(%dma_wait3A_298 : memref<80x128xf32, #tpu.memory_space<vmem>>)
    %add3A_305 = arith.constant 6000 : i32
    %add3A_306 = arith.addi %mul3A_2, %add3A_305 : i32
    %dma_start3A_307 = arith.constant 0 : i32
    %dma_start3A_308 = arith.constant 0 : i32
    %dma_start3A_309 = arith.constant 0 : i32
    %dma_start3A_310 = tpu.memref_slice %arg6[%dma_start3A_307, %dma_start3A_308, %dma_start3A_309] : memref<5x80x128xf32, #tpu.memory_space<vmem>> -> memref<1x80x128xf32, #tpu.memory_space<vmem>>
    %dma_start3A_311 = tpu.memref_squeeze %dma_start3A_310 : memref<1x80x128xf32, #tpu.memory_space<vmem>> -> memref<80x128xf32, #tpu.memory_space<vmem>>
    %dma_start3A_312 = arith.constant 0 : i32
    %dma_start3A_313 = tpu.memref_slice %arg4[%add3A_306, %dma_start3A_312] : memref<204800x128xf32, #tpu.memory_space<hbm>> -> memref<80x128xf32, #tpu.memory_space<hbm>>
    %dma_start3A_314 = arith.constant 0 : i32
    %dma_start3A_315 = tpu.memref_slice %arg4[%add3A_306, %dma_start3A_314] : memref<204800x128xf32, #tpu.memory_space<hbm>> -> memref<80x128xf32, #tpu.memory_space<hbm>>
    %dma_start3A_316 = arith.constant 0 : i32
    %dma_start3A_317 = arith.constant 0 : i32
    %dma_start3A_318 = tpu.memref_slice %arg6[%dma_start3A_307, %dma_start3A_316, %dma_start3A_317] : memref<5x80x128xf32, #tpu.memory_space<vmem>> -> memref<1x80x128xf32, #tpu.memory_space<vmem>>
    %dma_start3A_319 = tpu.memref_squeeze %dma_start3A_318 : memref<1x80x128xf32, #tpu.memory_space<vmem>> -> memref<80x128xf32, #tpu.memory_space<vmem>>
    tpu.enqueue_dma source(%dma_start3A_319 : memref<80x128xf32, #tpu.memory_space<vmem>>) target(%dma_start3A_315 : memref<80x128xf32, #tpu.memory_space<hbm>>) target_semaphore(%arg13 : memref<!tpu.dma_semaphore, #tpu.memory_space<semaphore_mem>>)
    %add3A_320 = arith.constant 5840 : i32
    %add3A_321 = arith.addi %mul3A_2, %add3A_320 : i32
    %dma_wait3A_322 = arith.constant 3 : i32
    %dma_wait3A_323 = arith.constant 0 : i32
    %dma_wait3A_324 = arith.constant 0 : i32
    %dma_wait3A_325 = tpu.memref_slice %arg6[%dma_wait3A_322, %dma_wait3A_323, %dma_wait3A_324] : memref<5x80x128xf32, #tpu.memory_space<vmem>> -> memref<1x80x128xf32, #tpu.memory_space<vmem>>
    %dma_wait3A_326 = tpu.memref_squeeze %dma_wait3A_325 : memref<1x80x128xf32, #tpu.memory_space<vmem>> -> memref<80x128xf32, #tpu.memory_space<vmem>>
    %dma_wait3A_327 = arith.constant 0 : i32
    %dma_wait3A_328 = tpu.memref_slice %arg4[%add3A_321, %dma_wait3A_327] : memref<204800x128xf32, #tpu.memory_space<hbm>> -> memref<80x128xf32, #tpu.memory_space<hbm>>
    %dma_wait3A_329 = arith.constant 0 : i32
    %dma_wait3A_330 = tpu.memref_slice %arg4[%add3A_321, %dma_wait3A_329] : memref<204800x128xf32, #tpu.memory_space<hbm>> -> memref<80x128xf32, #tpu.memory_space<hbm>>
    %dma_wait3A_331 = arith.constant 0 : i32
    %dma_wait3A_332 = arith.constant 0 : i32
    %dma_wait3A_333 = tpu.memref_slice %arg6[%dma_wait3A_322, %dma_wait3A_331, %dma_wait3A_332] : memref<5x80x128xf32, #tpu.memory_space<vmem>> -> memref<1x80x128xf32, #tpu.memory_space<vmem>>
    %dma_wait3A_334 = tpu.memref_squeeze %dma_wait3A_333 : memref<1x80x128xf32, #tpu.memory_space<vmem>> -> memref<80x128xf32, #tpu.memory_space<vmem>>
    tpu.wait_dma2 semaphore(%arg16 : memref<!tpu.dma_semaphore, #tpu.memory_space<semaphore_mem>>) src(%dma_wait3A_334 : memref<80x128xf32, #tpu.memory_space<vmem>>) dst(%dma_wait3A_330 : memref<80x128xf32, #tpu.memory_space<hbm>>)
    %dma_start3A_335 = arith.constant 78 : i32
    %dma_start3A_336 = arith.constant 3 : i32
    %dma_start3A_337 = arith.constant 0 : i32
    %dma_start3A_338 = arith.constant 0 : i32
    %dma_start3A_339 = tpu.memref_slice %arg6[%dma_start3A_336, %dma_start3A_337, %dma_start3A_338] : memref<5x80x128xf32, #tpu.memory_space<vmem>> -> memref<1x80x128xf32, #tpu.memory_space<vmem>>
    %dma_start3A_340 = tpu.memref_squeeze %dma_start3A_339 : memref<1x80x128xf32, #tpu.memory_space<vmem>> -> memref<80x128xf32, #tpu.memory_space<vmem>>
    %dma_start3A_341 = arith.constant 0 : i32
    %dma_start3A_342 = tpu.memref_slice %arg5[%dma_start3A_335, %dma_start3A_341] : memref<80x80xi32, #tpu.memory_space<vmem>> -> memref<1x80xi32, #tpu.memory_space<vmem>>
    %dma_start3A_343 = tpu.memref_squeeze %dma_start3A_342 : memref<1x80xi32, #tpu.memory_space<vmem>> -> memref<80xi32, #tpu.memory_space<vmem>>
    %dma_start3A_344 = arith.constant 0 : i32
    %dma_start3A_345 = arith.constant 0 : i32
    %dma_start3A_346 = tpu.memref_slice %arg7[%dma_start3A_344, %dma_start3A_345] : memref<8192x128xf32, #tpu.memory_space<vmem_shared>> -> memref<8192x128xf32, #tpu.memory_space<vmem_shared>>
    tpu.enqueue_indirect_dma source(%dma_start3A_346 : memref<8192x128xf32, #tpu.memory_space<vmem_shared>>) target(%dma_start3A_340 : memref<80x128xf32, #tpu.memory_space<vmem>>) offsets(%dma_start3A_343 : memref<80xi32, #tpu.memory_space<vmem>>) semaphore(%arg11 : memref<!tpu.dma_semaphore, #tpu.memory_space<semaphore_mem>>)
    %dma_wait3A_347 = arith.constant 76 : i32
    %dma_wait3A_348 = arith.constant 1 : i32
    %dma_wait3A_349 = arith.constant 0 : i32
    %dma_wait3A_350 = arith.constant 0 : i32
    %dma_wait3A_351 = tpu.memref_slice %arg6[%dma_wait3A_348, %dma_wait3A_349, %dma_wait3A_350] : memref<5x80x128xf32, #tpu.memory_space<vmem>> -> memref<1x80x128xf32, #tpu.memory_space<vmem>>
    %dma_wait3A_352 = tpu.memref_squeeze %dma_wait3A_351 : memref<1x80x128xf32, #tpu.memory_space<vmem>> -> memref<80x128xf32, #tpu.memory_space<vmem>>
    %dma_wait3A_353 = arith.constant 0 : i32
    %dma_wait3A_354 = tpu.memref_slice %arg5[%dma_wait3A_347, %dma_wait3A_353] : memref<80x80xi32, #tpu.memory_space<vmem>> -> memref<1x80xi32, #tpu.memory_space<vmem>>
    %dma_wait3A_355 = tpu.memref_squeeze %dma_wait3A_354 : memref<1x80xi32, #tpu.memory_space<vmem>> -> memref<80xi32, #tpu.memory_space<vmem>>
    %dma_wait3A_356 = arith.constant 0 : i32
    %dma_wait3A_357 = arith.constant 0 : i32
    %dma_wait3A_358 = tpu.memref_slice %arg7[%dma_wait3A_356, %dma_wait3A_357] : memref<8192x128xf32, #tpu.memory_space<vmem_shared>> -> memref<8192x128xf32, #tpu.memory_space<vmem_shared>>
    tpu.wait_indirect_dma semaphore(%arg9 : memref<!tpu.dma_semaphore, #tpu.memory_space<semaphore_mem>>) src(%dma_wait3A_358 : memref<8192x128xf32, #tpu.memory_space<vmem_shared>>) dst(%dma_wait3A_352 : memref<80x128xf32, #tpu.memory_space<vmem>>)
    %add3A_359 = arith.constant 6080 : i32
    %add3A_360 = arith.addi %mul3A_2, %add3A_359 : i32
    %dma_start3A_361 = arith.constant 1 : i32
    %dma_start3A_362 = arith.constant 0 : i32
    %dma_start3A_363 = arith.constant 0 : i32
    %dma_start3A_364 = tpu.memref_slice %arg6[%dma_start3A_361, %dma_start3A_362, %dma_start3A_363] : memref<5x80x128xf32, #tpu.memory_space<vmem>> -> memref<1x80x128xf32, #tpu.memory_space<vmem>>
    %dma_start3A_365 = tpu.memref_squeeze %dma_start3A_364 : memref<1x80x128xf32, #tpu.memory_space<vmem>> -> memref<80x128xf32, #tpu.memory_space<vmem>>
    %dma_start3A_366 = arith.constant 0 : i32
    %dma_start3A_367 = tpu.memref_slice %arg4[%add3A_360, %dma_start3A_366] : memref<204800x128xf32, #tpu.memory_space<hbm>> -> memref<80x128xf32, #tpu.memory_space<hbm>>
    %dma_start3A_368 = arith.constant 0 : i32
    %dma_start3A_369 = tpu.memref_slice %arg4[%add3A_360, %dma_start3A_368] : memref<204800x128xf32, #tpu.memory_space<hbm>> -> memref<80x128xf32, #tpu.memory_space<hbm>>
    %dma_start3A_370 = arith.constant 0 : i32
    %dma_start3A_371 = arith.constant 0 : i32
    %dma_start3A_372 = tpu.memref_slice %arg6[%dma_start3A_361, %dma_start3A_370, %dma_start3A_371] : memref<5x80x128xf32, #tpu.memory_space<vmem>> -> memref<1x80x128xf32, #tpu.memory_space<vmem>>
    %dma_start3A_373 = tpu.memref_squeeze %dma_start3A_372 : memref<1x80x128xf32, #tpu.memory_space<vmem>> -> memref<80x128xf32, #tpu.memory_space<vmem>>
    tpu.enqueue_dma source(%dma_start3A_373 : memref<80x128xf32, #tpu.memory_space<vmem>>) target(%dma_start3A_369 : memref<80x128xf32, #tpu.memory_space<hbm>>) target_semaphore(%arg14 : memref<!tpu.dma_semaphore, #tpu.memory_space<semaphore_mem>>)
    %add3A_374 = arith.constant 5920 : i32
    %add3A_375 = arith.addi %mul3A_2, %add3A_374 : i32
    %dma_wait3A_376 = arith.constant 4 : i32
    %dma_wait3A_377 = arith.constant 0 : i32
    %dma_wait3A_378 = arith.constant 0 : i32
    %dma_wait3A_379 = tpu.memref_slice %arg6[%dma_wait3A_376, %dma_wait3A_377, %dma_wait3A_378] : memref<5x80x128xf32, #tpu.memory_space<vmem>> -> memref<1x80x128xf32, #tpu.memory_space<vmem>>
    %dma_wait3A_380 = tpu.memref_squeeze %dma_wait3A_379 : memref<1x80x128xf32, #tpu.memory_space<vmem>> -> memref<80x128xf32, #tpu.memory_space<vmem>>
    %dma_wait3A_381 = arith.constant 0 : i32
    %dma_wait3A_382 = tpu.memref_slice %arg4[%add3A_375, %dma_wait3A_381] : memref<204800x128xf32, #tpu.memory_space<hbm>> -> memref<80x128xf32, #tpu.memory_space<hbm>>
    %dma_wait3A_383 = arith.constant 0 : i32
    %dma_wait3A_384 = tpu.memref_slice %arg4[%add3A_375, %dma_wait3A_383] : memref<204800x128xf32, #tpu.memory_space<hbm>> -> memref<80x128xf32, #tpu.memory_space<hbm>>
    %dma_wait3A_385 = arith.constant 0 : i32
    %dma_wait3A_386 = arith.constant 0 : i32
    %dma_wait3A_387 = tpu.memref_slice %arg6[%dma_wait3A_376, %dma_wait3A_385, %dma_wait3A_386] : memref<5x80x128xf32, #tpu.memory_space<vmem>> -> memref<1x80x128xf32, #tpu.memory_space<vmem>>
    %dma_wait3A_388 = tpu.memref_squeeze %dma_wait3A_387 : memref<1x80x128xf32, #tpu.memory_space<vmem>> -> memref<80x128xf32, #tpu.memory_space<vmem>>
    tpu.wait_dma2 semaphore(%arg17 : memref<!tpu.dma_semaphore, #tpu.memory_space<semaphore_mem>>) src(%dma_wait3A_388 : memref<80x128xf32, #tpu.memory_space<vmem>>) dst(%dma_wait3A_384 : memref<80x128xf32, #tpu.memory_space<hbm>>)
    %dma_start3A_389 = arith.constant 79 : i32
    %dma_start3A_390 = arith.constant 4 : i32
    %dma_start3A_391 = arith.constant 0 : i32
    %dma_start3A_392 = arith.constant 0 : i32
    %dma_start3A_393 = tpu.memref_slice %arg6[%dma_start3A_390, %dma_start3A_391, %dma_start3A_392] : memref<5x80x128xf32, #tpu.memory_space<vmem>> -> memref<1x80x128xf32, #tpu.memory_space<vmem>>
    %dma_start3A_394 = tpu.memref_squeeze %dma_start3A_393 : memref<1x80x128xf32, #tpu.memory_space<vmem>> -> memref<80x128xf32, #tpu.memory_space<vmem>>
    %dma_start3A_395 = arith.constant 0 : i32
    %dma_start3A_396 = tpu.memref_slice %arg5[%dma_start3A_389, %dma_start3A_395] : memref<80x80xi32, #tpu.memory_space<vmem>> -> memref<1x80xi32, #tpu.memory_space<vmem>>
    %dma_start3A_397 = tpu.memref_squeeze %dma_start3A_396 : memref<1x80xi32, #tpu.memory_space<vmem>> -> memref<80xi32, #tpu.memory_space<vmem>>
    %dma_start3A_398 = arith.constant 0 : i32
    %dma_start3A_399 = arith.constant 0 : i32
    %dma_start3A_400 = tpu.memref_slice %arg7[%dma_start3A_398, %dma_start3A_399] : memref<8192x128xf32, #tpu.memory_space<vmem_shared>> -> memref<8192x128xf32, #tpu.memory_space<vmem_shared>>
    tpu.enqueue_indirect_dma source(%dma_start3A_400 : memref<8192x128xf32, #tpu.memory_space<vmem_shared>>) target(%dma_start3A_394 : memref<80x128xf32, #tpu.memory_space<vmem>>) offsets(%dma_start3A_397 : memref<80xi32, #tpu.memory_space<vmem>>) semaphore(%arg12 : memref<!tpu.dma_semaphore, #tpu.memory_space<semaphore_mem>>)
    %dma_wait3A_401 = arith.constant 77 : i32
    %dma_wait3A_402 = arith.constant 2 : i32
    %dma_wait3A_403 = arith.constant 0 : i32
    %dma_wait3A_404 = arith.constant 0 : i32
    %dma_wait3A_405 = tpu.memref_slice %arg6[%dma_wait3A_402, %dma_wait3A_403, %dma_wait3A_404] : memref<5x80x128xf32, #tpu.memory_space<vmem>> -> memref<1x80x128xf32, #tpu.memory_space<vmem>>
    %dma_wait3A_406 = tpu.memref_squeeze %dma_wait3A_405 : memref<1x80x128xf32, #tpu.memory_space<vmem>> -> memref<80x128xf32, #tpu.memory_space<vmem>>
    %dma_wait3A_407 = arith.constant 0 : i32
    %dma_wait3A_408 = tpu.memref_slice %arg5[%dma_wait3A_401, %dma_wait3A_407] : memref<80x80xi32, #tpu.memory_space<vmem>> -> memref<1x80xi32, #tpu.memory_space<vmem>>
    %dma_wait3A_409 = tpu.memref_squeeze %dma_wait3A_408 : memref<1x80xi32, #tpu.memory_space<vmem>> -> memref<80xi32, #tpu.memory_space<vmem>>
    %dma_wait3A_410 = arith.constant 0 : i32
    %dma_wait3A_411 = arith.constant 0 : i32
    %dma_wait3A_412 = tpu.memref_slice %arg7[%dma_wait3A_410, %dma_wait3A_411] : memref<8192x128xf32, #tpu.memory_space<vmem_shared>> -> memref<8192x128xf32, #tpu.memory_space<vmem_shared>>
    tpu.wait_indirect_dma semaphore(%arg10 : memref<!tpu.dma_semaphore, #tpu.memory_space<semaphore_mem>>) src(%dma_wait3A_412 : memref<8192x128xf32, #tpu.memory_space<vmem_shared>>) dst(%dma_wait3A_406 : memref<80x128xf32, #tpu.memory_space<vmem>>)
    %add3A_413 = arith.constant 6160 : i32
    %add3A_414 = arith.addi %mul3A_2, %add3A_413 : i32
    %dma_start3A_415 = arith.constant 2 : i32
    %dma_start3A_416 = arith.constant 0 : i32
    %dma_start3A_417 = arith.constant 0 : i32
    %dma_start3A_418 = tpu.memref_slice %arg6[%dma_start3A_415, %dma_start3A_416, %dma_start3A_417] : memref<5x80x128xf32, #tpu.memory_space<vmem>> -> memref<1x80x128xf32, #tpu.memory_space<vmem>>
    %dma_start3A_419 = tpu.memref_squeeze %dma_start3A_418 : memref<1x80x128xf32, #tpu.memory_space<vmem>> -> memref<80x128xf32, #tpu.memory_space<vmem>>
    %dma_start3A_420 = arith.constant 0 : i32
    %dma_start3A_421 = tpu.memref_slice %arg4[%add3A_414, %dma_start3A_420] : memref<204800x128xf32, #tpu.memory_space<hbm>> -> memref<80x128xf32, #tpu.memory_space<hbm>>
    %dma_start3A_422 = arith.constant 0 : i32
    %dma_start3A_423 = tpu.memref_slice %arg4[%add3A_414, %dma_start3A_422] : memref<204800x128xf32, #tpu.memory_space<hbm>> -> memref<80x128xf32, #tpu.memory_space<hbm>>
    %dma_start3A_424 = arith.constant 0 : i32
    %dma_start3A_425 = arith.constant 0 : i32
    %dma_start3A_426 = tpu.memref_slice %arg6[%dma_start3A_415, %dma_start3A_424, %dma_start3A_425] : memref<5x80x128xf32, #tpu.memory_space<vmem>> -> memref<1x80x128xf32, #tpu.memory_space<vmem>>
    %dma_start3A_427 = tpu.memref_squeeze %dma_start3A_426 : memref<1x80x128xf32, #tpu.memory_space<vmem>> -> memref<80x128xf32, #tpu.memory_space<vmem>>
    tpu.enqueue_dma source(%dma_start3A_427 : memref<80x128xf32, #tpu.memory_space<vmem>>) target(%dma_start3A_423 : memref<80x128xf32, #tpu.memory_space<hbm>>) target_semaphore(%arg15 : memref<!tpu.dma_semaphore, #tpu.memory_space<semaphore_mem>>)
    %dma_wait3A_428 = arith.constant 78 : i32
    %dma_wait3A_429 = arith.constant 3 : i32
    %dma_wait3A_430 = arith.constant 0 : i32
    %dma_wait3A_431 = arith.constant 0 : i32
    %dma_wait3A_432 = tpu.memref_slice %arg6[%dma_wait3A_429, %dma_wait3A_430, %dma_wait3A_431] : memref<5x80x128xf32, #tpu.memory_space<vmem>> -> memref<1x80x128xf32, #tpu.memory_space<vmem>>
    %dma_wait3A_433 = tpu.memref_squeeze %dma_wait3A_432 : memref<1x80x128xf32, #tpu.memory_space<vmem>> -> memref<80x128xf32, #tpu.memory_space<vmem>>
    %dma_wait3A_434 = arith.constant 0 : i32
    %dma_wait3A_435 = tpu.memref_slice %arg5[%dma_wait3A_428, %dma_wait3A_434] : memref<80x80xi32, #tpu.memory_space<vmem>> -> memref<1x80xi32, #tpu.memory_space<vmem>>
    %dma_wait3A_436 = tpu.memref_squeeze %dma_wait3A_435 : memref<1x80xi32, #tpu.memory_space<vmem>> -> memref<80xi32, #tpu.memory_space<vmem>>
    %dma_wait3A_437 = arith.constant 0 : i32
    %dma_wait3A_438 = arith.constant 0 : i32
    %dma_wait3A_439 = tpu.memref_slice %arg7[%dma_wait3A_437, %dma_wait3A_438] : memref<8192x128xf32, #tpu.memory_space<vmem_shared>> -> memref<8192x128xf32, #tpu.memory_space<vmem_shared>>
    tpu.wait_indirect_dma semaphore(%arg11 : memref<!tpu.dma_semaphore, #tpu.memory_space<semaphore_mem>>) src(%dma_wait3A_439 : memref<8192x128xf32, #tpu.memory_space<vmem_shared>>) dst(%dma_wait3A_433 : memref<80x128xf32, #tpu.memory_space<vmem>>)
    %add3A_440 = arith.constant 6240 : i32
    %add3A_441 = arith.addi %mul3A_2, %add3A_440 : i32
    %dma_start3A_442 = arith.constant 3 : i32
    %dma_start3A_443 = arith.constant 0 : i32
    %dma_start3A_444 = arith.constant 0 : i32
    %dma_start3A_445 = tpu.memref_slice %arg6[%dma_start3A_442, %dma_start3A_443, %dma_start3A_444] : memref<5x80x128xf32, #tpu.memory_space<vmem>> -> memref<1x80x128xf32, #tpu.memory_space<vmem>>
    %dma_start3A_446 = tpu.memref_squeeze %dma_start3A_445 : memref<1x80x128xf32, #tpu.memory_space<vmem>> -> memref<80x128xf32, #tpu.memory_space<vmem>>
    %dma_start3A_447 = arith.constant 0 : i32
    %dma_start3A_448 = tpu.memref_slice %arg4[%add3A_441, %dma_start3A_447] : memref<204800x128xf32, #tpu.memory_space<hbm>> -> memref<80x128xf32, #tpu.memory_space<hbm>>
    %dma_start3A_449 = arith.constant 0 : i32
    %dma_start3A_450 = tpu.memref_slice %arg4[%add3A_441, %dma_start3A_449] : memref<204800x128xf32, #tpu.memory_space<hbm>> -> memref<80x128xf32, #tpu.memory_space<hbm>>
    %dma_start3A_451 = arith.constant 0 : i32
    %dma_start3A_452 = arith.constant 0 : i32
    %dma_start3A_453 = tpu.memref_slice %arg6[%dma_start3A_442, %dma_start3A_451, %dma_start3A_452] : memref<5x80x128xf32, #tpu.memory_space<vmem>> -> memref<1x80x128xf32, #tpu.memory_space<vmem>>
    %dma_start3A_454 = tpu.memref_squeeze %dma_start3A_453 : memref<1x80x128xf32, #tpu.memory_space<vmem>> -> memref<80x128xf32, #tpu.memory_space<vmem>>
    tpu.enqueue_dma source(%dma_start3A_454 : memref<80x128xf32, #tpu.memory_space<vmem>>) target(%dma_start3A_450 : memref<80x128xf32, #tpu.memory_space<hbm>>) target_semaphore(%arg16 : memref<!tpu.dma_semaphore, #tpu.memory_space<semaphore_mem>>)
    %dma_wait3A_455 = arith.constant 79 : i32
    %dma_wait3A_456 = arith.constant 4 : i32
    %dma_wait3A_457 = arith.constant 0 : i32
    %dma_wait3A_458 = arith.constant 0 : i32
    %dma_wait3A_459 = tpu.memref_slice %arg6[%dma_wait3A_456, %dma_wait3A_457, %dma_wait3A_458] : memref<5x80x128xf32, #tpu.memory_space<vmem>> -> memref<1x80x128xf32, #tpu.memory_space<vmem>>
    %dma_wait3A_460 = tpu.memref_squeeze %dma_wait3A_459 : memref<1x80x128xf32, #tpu.memory_space<vmem>> -> memref<80x128xf32, #tpu.memory_space<vmem>>
    %dma_wait3A_461 = arith.constant 0 : i32
    %dma_wait3A_462 = tpu.memref_slice %arg5[%dma_wait3A_455, %dma_wait3A_461] : memref<80x80xi32, #tpu.memory_space<vmem>> -> memref<1x80xi32, #tpu.memory_space<vmem>>
    %dma_wait3A_463 = tpu.memref_squeeze %dma_wait3A_462 : memref<1x80xi32, #tpu.memory_space<vmem>> -> memref<80xi32, #tpu.memory_space<vmem>>
    %dma_wait3A_464 = arith.constant 0 : i32
    %dma_wait3A_465 = arith.constant 0 : i32
    %dma_wait3A_466 = tpu.memref_slice %arg7[%dma_wait3A_464, %dma_wait3A_465] : memref<8192x128xf32, #tpu.memory_space<vmem_shared>> -> memref<8192x128xf32, #tpu.memory_space<vmem_shared>>
    tpu.wait_indirect_dma semaphore(%arg12 : memref<!tpu.dma_semaphore, #tpu.memory_space<semaphore_mem>>) src(%dma_wait3A_466 : memref<8192x128xf32, #tpu.memory_space<vmem_shared>>) dst(%dma_wait3A_460 : memref<80x128xf32, #tpu.memory_space<vmem>>)
    %add3A_467 = arith.constant 6320 : i32
    %add3A_468 = arith.addi %mul3A_2, %add3A_467 : i32
    %dma_start3A_469 = arith.constant 4 : i32
    %dma_start3A_470 = arith.constant 0 : i32
    %dma_start3A_471 = arith.constant 0 : i32
    %dma_start3A_472 = tpu.memref_slice %arg6[%dma_start3A_469, %dma_start3A_470, %dma_start3A_471] : memref<5x80x128xf32, #tpu.memory_space<vmem>> -> memref<1x80x128xf32, #tpu.memory_space<vmem>>
    %dma_start3A_473 = tpu.memref_squeeze %dma_start3A_472 : memref<1x80x128xf32, #tpu.memory_space<vmem>> -> memref<80x128xf32, #tpu.memory_space<vmem>>
    %dma_start3A_474 = arith.constant 0 : i32
    %dma_start3A_475 = tpu.memref_slice %arg4[%add3A_468, %dma_start3A_474] : memref<204800x128xf32, #tpu.memory_space<hbm>> -> memref<80x128xf32, #tpu.memory_space<hbm>>
    %dma_start3A_476 = arith.constant 0 : i32
    %dma_start3A_477 = tpu.memref_slice %arg4[%add3A_468, %dma_start3A_476] : memref<204800x128xf32, #tpu.memory_space<hbm>> -> memref<80x128xf32, #tpu.memory_space<hbm>>
    %dma_start3A_478 = arith.constant 0 : i32
    %dma_start3A_479 = arith.constant 0 : i32
    %dma_start3A_480 = tpu.memref_slice %arg6[%dma_start3A_469, %dma_start3A_478, %dma_start3A_479] : memref<5x80x128xf32, #tpu.memory_space<vmem>> -> memref<1x80x128xf32, #tpu.memory_space<vmem>>
    %dma_start3A_481 = tpu.memref_squeeze %dma_start3A_480 : memref<1x80x128xf32, #tpu.memory_space<vmem>> -> memref<80x128xf32, #tpu.memory_space<vmem>>
    tpu.enqueue_dma source(%dma_start3A_481 : memref<80x128xf32, #tpu.memory_space<vmem>>) target(%dma_start3A_477 : memref<80x128xf32, #tpu.memory_space<hbm>>) target_semaphore(%arg17 : memref<!tpu.dma_semaphore, #tpu.memory_space<semaphore_mem>>)
    %add3A_482 = arith.constant 6000 : i32
    %add3A_483 = arith.addi %mul3A_2, %add3A_482 : i32
    %dma_wait3A_484 = arith.constant 0 : i32
    %dma_wait3A_485 = arith.constant 0 : i32
    %dma_wait3A_486 = arith.constant 0 : i32
    %dma_wait3A_487 = tpu.memref_slice %arg6[%dma_wait3A_484, %dma_wait3A_485, %dma_wait3A_486] : memref<5x80x128xf32, #tpu.memory_space<vmem>> -> memref<1x80x128xf32, #tpu.memory_space<vmem>>
    %dma_wait3A_488 = tpu.memref_squeeze %dma_wait3A_487 : memref<1x80x128xf32, #tpu.memory_space<vmem>> -> memref<80x128xf32, #tpu.memory_space<vmem>>
    %dma_wait3A_489 = arith.constant 0 : i32
    %dma_wait3A_490 = tpu.memref_slice %arg4[%add3A_483, %dma_wait3A_489] : memref<204800x128xf32, #tpu.memory_space<hbm>> -> memref<80x128xf32, #tpu.memory_space<hbm>>
    %dma_wait3A_491 = arith.constant 0 : i32
    %dma_wait3A_492 = tpu.memref_slice %arg4[%add3A_483, %dma_wait3A_491] : memref<204800x128xf32, #tpu.memory_space<hbm>> -> memref<80x128xf32, #tpu.memory_space<hbm>>
    %dma_wait3A_493 = arith.constant 0 : i32
    %dma_wait3A_494 = arith.constant 0 : i32
    %dma_wait3A_495 = tpu.memref_slice %arg6[%dma_wait3A_484, %dma_wait3A_493, %dma_wait3A_494] : memref<5x80x128xf32, #tpu.memory_space<vmem>> -> memref<1x80x128xf32, #tpu.memory_space<vmem>>
    %dma_wait3A_496 = tpu.memref_squeeze %dma_wait3A_495 : memref<1x80x128xf32, #tpu.memory_space<vmem>> -> memref<80x128xf32, #tpu.memory_space<vmem>>
    tpu.wait_dma2 semaphore(%arg13 : memref<!tpu.dma_semaphore, #tpu.memory_space<semaphore_mem>>) src(%dma_wait3A_496 : memref<80x128xf32, #tpu.memory_space<vmem>>) dst(%dma_wait3A_492 : memref<80x128xf32, #tpu.memory_space<hbm>>)
    %add3A_497 = arith.constant 6080 : i32
    %add3A_498 = arith.addi %mul3A_2, %add3A_497 : i32
    %dma_wait3A_499 = arith.constant 1 : i32
    %dma_wait3A_500 = arith.constant 0 : i32
    %dma_wait3A_501 = arith.constant 0 : i32
    %dma_wait3A_502 = tpu.memref_slice %arg6[%dma_wait3A_499, %dma_wait3A_500, %dma_wait3A_501] : memref<5x80x128xf32, #tpu.memory_space<vmem>> -> memref<1x80x128xf32, #tpu.memory_space<vmem>>
    %dma_wait3A_503 = tpu.memref_squeeze %dma_wait3A_502 : memref<1x80x128xf32, #tpu.memory_space<vmem>> -> memref<80x128xf32, #tpu.memory_space<vmem>>
    %dma_wait3A_504 = arith.constant 0 : i32
    %dma_wait3A_505 = tpu.memref_slice %arg4[%add3A_498, %dma_wait3A_504] : memref<204800x128xf32, #tpu.memory_space<hbm>> -> memref<80x128xf32, #tpu.memory_space<hbm>>
    %dma_wait3A_506 = arith.constant 0 : i32
    %dma_wait3A_507 = tpu.memref_slice %arg4[%add3A_498, %dma_wait3A_506] : memref<204800x128xf32, #tpu.memory_space<hbm>> -> memref<80x128xf32, #tpu.memory_space<hbm>>
    %dma_wait3A_508 = arith.constant 0 : i32
    %dma_wait3A_509 = arith.constant 0 : i32
    %dma_wait3A_510 = tpu.memref_slice %arg6[%dma_wait3A_499, %dma_wait3A_508, %dma_wait3A_509] : memref<5x80x128xf32, #tpu.memory_space<vmem>> -> memref<1x80x128xf32, #tpu.memory_space<vmem>>
    %dma_wait3A_511 = tpu.memref_squeeze %dma_wait3A_510 : memref<1x80x128xf32, #tpu.memory_space<vmem>> -> memref<80x128xf32, #tpu.memory_space<vmem>>
    tpu.wait_dma2 semaphore(%arg14 : memref<!tpu.dma_semaphore, #tpu.memory_space<semaphore_mem>>) src(%dma_wait3A_511 : memref<80x128xf32, #tpu.memory_space<vmem>>) dst(%dma_wait3A_507 : memref<80x128xf32, #tpu.memory_space<hbm>>)
    %add3A_512 = arith.constant 6160 : i32
    %add3A_513 = arith.addi %mul3A_2, %add3A_512 : i32
    %dma_wait3A_514 = arith.constant 2 : i32
    %dma_wait3A_515 = arith.constant 0 : i32
    %dma_wait3A_516 = arith.constant 0 : i32
    %dma_wait3A_517 = tpu.memref_slice %arg6[%dma_wait3A_514, %dma_wait3A_515, %dma_wait3A_516] : memref<5x80x128xf32, #tpu.memory_space<vmem>> -> memref<1x80x128xf32, #tpu.memory_space<vmem>>
    %dma_wait3A_518 = tpu.memref_squeeze %dma_wait3A_517 : memref<1x80x128xf32, #tpu.memory_space<vmem>> -> memref<80x128xf32, #tpu.memory_space<vmem>>
    %dma_wait3A_519 = arith.constant 0 : i32
    %dma_wait3A_520 = tpu.memref_slice %arg4[%add3A_513, %dma_wait3A_519] : memref<204800x128xf32, #tpu.memory_space<hbm>> -> memref<80x128xf32, #tpu.memory_space<hbm>>
    %dma_wait3A_521 = arith.constant 0 : i32
    %dma_wait3A_522 = tpu.memref_slice %arg4[%add3A_513, %dma_wait3A_521] : memref<204800x128xf32, #tpu.memory_space<hbm>> -> memref<80x128xf32, #tpu.memory_space<hbm>>
    %dma_wait3A_523 = arith.constant 0 : i32
    %dma_wait3A_524 = arith.constant 0 : i32
    %dma_wait3A_525 = tpu.memref_slice %arg6[%dma_wait3A_514, %dma_wait3A_523, %dma_wait3A_524] : memref<5x80x128xf32, #tpu.memory_space<vmem>> -> memref<1x80x128xf32, #tpu.memory_space<vmem>>
    %dma_wait3A_526 = tpu.memref_squeeze %dma_wait3A_525 : memref<1x80x128xf32, #tpu.memory_space<vmem>> -> memref<80x128xf32, #tpu.memory_space<vmem>>
    tpu.wait_dma2 semaphore(%arg15 : memref<!tpu.dma_semaphore, #tpu.memory_space<semaphore_mem>>) src(%dma_wait3A_526 : memref<80x128xf32, #tpu.memory_space<vmem>>) dst(%dma_wait3A_522 : memref<80x128xf32, #tpu.memory_space<hbm>>)
    %add3A_527 = arith.constant 6240 : i32
    %add3A_528 = arith.addi %mul3A_2, %add3A_527 : i32
    %dma_wait3A_529 = arith.constant 3 : i32
    %dma_wait3A_530 = arith.constant 0 : i32
    %dma_wait3A_531 = arith.constant 0 : i32
    %dma_wait3A_532 = tpu.memref_slice %arg6[%dma_wait3A_529, %dma_wait3A_530, %dma_wait3A_531] : memref<5x80x128xf32, #tpu.memory_space<vmem>> -> memref<1x80x128xf32, #tpu.memory_space<vmem>>
    %dma_wait3A_533 = tpu.memref_squeeze %dma_wait3A_532 : memref<1x80x128xf32, #tpu.memory_space<vmem>> -> memref<80x128xf32, #tpu.memory_space<vmem>>
    %dma_wait3A_534 = arith.constant 0 : i32
    %dma_wait3A_535 = tpu.memref_slice %arg4[%add3A_528, %dma_wait3A_534] : memref<204800x128xf32, #tpu.memory_space<hbm>> -> memref<80x128xf32, #tpu.memory_space<hbm>>
    %dma_wait3A_536 = arith.constant 0 : i32
    %dma_wait3A_537 = tpu.memref_slice %arg4[%add3A_528, %dma_wait3A_536] : memref<204800x128xf32, #tpu.memory_space<hbm>> -> memref<80x128xf32, #tpu.memory_space<hbm>>
    %dma_wait3A_538 = arith.constant 0 : i32
    %dma_wait3A_539 = arith.constant 0 : i32
    %dma_wait3A_540 = tpu.memref_slice %arg6[%dma_wait3A_529, %dma_wait3A_538, %dma_wait3A_539] : memref<5x80x128xf32, #tpu.memory_space<vmem>> -> memref<1x80x128xf32, #tpu.memory_space<vmem>>
    %dma_wait3A_541 = tpu.memref_squeeze %dma_wait3A_540 : memref<1x80x128xf32, #tpu.memory_space<vmem>> -> memref<80x128xf32, #tpu.memory_space<vmem>>
    tpu.wait_dma2 semaphore(%arg16 : memref<!tpu.dma_semaphore, #tpu.memory_space<semaphore_mem>>) src(%dma_wait3A_541 : memref<80x128xf32, #tpu.memory_space<vmem>>) dst(%dma_wait3A_537 : memref<80x128xf32, #tpu.memory_space<hbm>>)
    %add3A_542 = arith.constant 6320 : i32
    %add3A_543 = arith.addi %mul3A_2, %add3A_542 : i32
    %dma_wait3A_544 = arith.constant 4 : i32
    %dma_wait3A_545 = arith.constant 0 : i32
    %dma_wait3A_546 = arith.constant 0 : i32
    %dma_wait3A_547 = tpu.memref_slice %arg6[%dma_wait3A_544, %dma_wait3A_545, %dma_wait3A_546] : memref<5x80x128xf32, #tpu.memory_space<vmem>> -> memref<1x80x128xf32, #tpu.memory_space<vmem>>
    %dma_wait3A_548 = tpu.memref_squeeze %dma_wait3A_547 : memref<1x80x128xf32, #tpu.memory_space<vmem>> -> memref<80x128xf32, #tpu.memory_space<vmem>>
    %dma_wait3A_549 = arith.constant 0 : i32
    %dma_wait3A_550 = tpu.memref_slice %arg4[%add3A_543, %dma_wait3A_549] : memref<204800x128xf32, #tpu.memory_space<hbm>> -> memref<80x128xf32, #tpu.memory_space<hbm>>
    %dma_wait3A_551 = arith.constant 0 : i32
    %dma_wait3A_552 = tpu.memref_slice %arg4[%add3A_543, %dma_wait3A_551] : memref<204800x128xf32, #tpu.memory_space<hbm>> -> memref<80x128xf32, #tpu.memory_space<hbm>>
    %dma_wait3A_553 = arith.constant 0 : i32
    %dma_wait3A_554 = arith.constant 0 : i32
    %dma_wait3A_555 = tpu.memref_slice %arg6[%dma_wait3A_544, %dma_wait3A_553, %dma_wait3A_554] : memref<5x80x128xf32, #tpu.memory_space<vmem>> -> memref<1x80x128xf32, #tpu.memory_space<vmem>>
    %dma_wait3A_556 = tpu.memref_squeeze %dma_wait3A_555 : memref<1x80x128xf32, #tpu.memory_space<vmem>> -> memref<80x128xf32, #tpu.memory_space<vmem>>
    tpu.wait_dma2 semaphore(%arg17 : memref<!tpu.dma_semaphore, #tpu.memory_space<semaphore_mem>>) src(%dma_wait3A_556 : memref<80x128xf32, #tpu.memory_space<vmem>>) dst(%dma_wait3A_552 : memref<80x128xf32, #tpu.memory_space<hbm>>)
    return
  }
}

</mosaic_0001>

<sc_bundles>
// kernel: kernel.3.cloned.1.call-start
scs
__scs_entry_jumppad:
0x0: {  	(pc) =	sbr.rel $0x88, $3  }
0x1: {  	(tag) =	ssettag $0x0;
	lr =	simm.s32 $0x1  }
0x2: {  	[smem:$0x3F9F] =	sst lr;
	_ =	strace $0xD0000000  }
0x3: {  	_ = 	snop  }
0x4: {  	_ = 	snop  }
0x5: {  	_ = 	snop  }
0x6: {  	_ = 	snop  }
0x7: {  	_ = 	snop  }
__scs_overlays_trampoline_lowered:
0x8: {  	[smem:$0x3FAE] =	sst s0  }
0x9: {  	[smem:$0x3FAF] =	sst s1  }
0xa: {  	[smem:$0x3FB0] =	sst s2  }
0xb: {  	[smem:$0x3FB1] =	sst s3  }
0xc: {  	[smem:$0x3FB2] =	sst s4  }
0xd: {  	[smem:$0x3FB3] =	sst s5  }
0xe: {  	[smem:$0x3FB4] =	sst s6  }
0xf: {  	[smem:$0x3FB5] =	sst s7  }
0x10: {  	[smem:$0x3FB6] =	sst s8  }
0x11: {  	[smem:$0x3FB7] =	sst s9;
	s0 =	simm.s32 @!p0 $0x0  }
0x12: {  	s1 =	sld [smem:$0x3F9D];
	s0 =	simm.s32 @p0 $0x1  }
0x13: {  	[smem:$0x3FB8] =	sst s0;
	s0 =	simm.s32 @!p1 $0x0  }
0x14: {  	s2 =	sld [smem:$0x3F9C];
	s0 =	simm.s32 @p1 $0x1  }
0x15: {  	[smem:$0x3FB9] =	sst s0;
	s0 =	simm.s32 @!p2 $0x0  }
0x16: {  	s3 =	sld [smem:$0x3FDB];
	s0 =	simm.s32 @p2 $0x1  }
0x17: {  	s4 =	simm.s32 $0x1BF5;
	[smem:$0x3FBB] =	sst s0  }
0x18: {  	s0 =	sld [smem:$0x3F9E];
	_ =	swait.ge [sflag:s4], $0x0  }
0x19: {  	s7 =	sld [smem:$0x3F9F]  }
0x1a: {  	s8 =	sadd.s32 $0xFFFFE003, lr  }
0x1b: {  	s9 =	sadd.s32 $0xFFFFFEF7, lr;
	s5 =	simm.s32 $0xFFFFFFFF;
	p2 =	slt.u32 s8, $0xFFFFF086  }
0x1c: {  	p1 =	slt.u32 s9, $0xF7A;
	s5 =	simm.s32 @!p2 $0x0  }
0x1d: {  	s5 =	simm.s32 @p1 $0x1;
	p0 =	seq.s32 s7, s2  }
0x1e: {  	s7 =	smul.u32 @!p0 $0xF7A, s2;
	p2 =	seq.s32 @!p0 s5, $0x0  }
0x1f: {  	s9 =	smul.u32 $0xF7A, s1;
	s8 =	simm.s32 @!p0 $0x1BF5;
	p2 =	por !p2, p0  }
0x20: {  	[sflag:s8] =	ssyncset.s32 @!p0 $0xFFFFF086;
	s6 =	sadd.s32 @!p0 s3, s7;
	s7 =	simm.s32 @!p0 $0x108  }
0x21: {  	s3 =	sadd.s32 s3, s9;
	s6 =	sadd.s32 @!p0 $0x88, s6;
	s7 =	simm.s32 @p2 $0x1082  }
0x22: {  	[simem:s7], [sflag:s8] =	dma.local @!p0 [hbm:s6], $0xF7A  }
0x23: {  	s9 =	sor.u32 $0xD0000000, s2;
	s6 =	simm.s32 $0x108;
	_ =	swait.ge @!p0 [sflag:s8], $0x0  }
0x24: {  	s3 =	sadd.s32 $0x88, s3;
	s6 =	simm.s32 @!p1 $0x1082;
	[sflag:s4] =	ssyncset.s32 $0xFFFFF086  }
0x25: {  	[simem:s6], [sflag:s4] =	dma.local [hbm:s3], $0xF7A  }
0x26: {  	[smem:$0x3F9F] =	sst s1;
	(tag) =	ssettag s2;
	_ =	strace s9  }
0x27: {  	s1 =	sld [smem:$0x3FAF]  }
0x28: {  	s2 =	sld [smem:$0x3FB0]  }
0x29: {  	s4 =	sld [smem:$0x3FB2]  }
0x2a: {  	p0 =	seq.s32 s5, $0x0;
	s5 =	sld [smem:$0x3FB3]  }
0x2b: {  	s6 =	sld [smem:$0x3FB4]  }
0x2c: {  	s7 =	sld [smem:$0x3FB5]  }
0x2d: {  	s3 =	simm.s32 $0x108;
	s8 =	sld [smem:$0x3FB6]  }
0x2e: {  	s3 =	simm.s32 @!p0 $0x1082;
	s9 =	sld [smem:$0x3FB7]  }
0x2f: {  	lr =	sadd.s32 s0, s3;
	s0 =	sld [smem:$0x3FAE]  }
0x30: {  	s3 =	sld [smem:$0x3FB1]  }
0x31: {  	[smem:$0x3FBA] =	sst s10  }
0x32: {  	s10 =	sld [smem:$0x3FB8];
	_ =	sdelay $0x3  }
0x33: {  	p0 =	seq.s32 s10, $0x1;
	s10 =	sld [smem:$0x3FBA];
	_ =	sdelay $0x3  }
0x34: {  	[smem:$0x3FBA] =	sst s10  }
0x35: {  	s10 =	sld [smem:$0x3FB9];
	_ =	sdelay $0x3  }
0x36: {  	p1 =	seq.s32 s10, $0x1;
	s10 =	sld [smem:$0x3FBA];
	_ =	sdelay $0x3  }
0x37: {  	[smem:$0x3FBA] =	sst s10  }
0x38: {  	s10 =	sld [smem:$0x3FBB]  }
0x39: {  	_ = 	snop;
	(pc) =	sbr.ind lr, $3  }
0x3a: {  	_ = 	snop  }
0x3b: {  	_ = 	snop  }
0x3c: {  	p2 =	seq.s32 s10, $0x1;
	s10 =	sld [smem:$0x3FBA]  }
0x3d: {  	_ =	shalt  }
0x3e: {  	_ =	shalt  }
0x3f: {  	_ =	shalt  }
0x40: {  	_ =	shalt  }
0x41: {  	_ =	shalt  }
0x42: {  	_ =	shalt  }
0x43: {  	_ =	shalt  }
0x44: {  	_ =	shalt  }
0x45: {  	_ =	shalt  }
0x46: {  	_ =	shalt  }
0x47: {  	_ =	shalt  }
0x48: {  	_ =	shalt  }
0x49: {  	_ =	shalt  }
0x4a: {  	_ =	shalt  }
0x4b: {  	_ =	shalt  }
0x4c: {  	_ =	shalt  }
0x4d: {  	_ =	shalt  }
0x4e: {  	_ =	shalt  }
0x4f: {  	_ =	shalt  }
0x50: {  	_ =	shalt  }
0x51: {  	_ =	shalt  }
0x52: {  	_ =	shalt  }
0x53: {  	_ =	shalt  }
0x54: {  	_ =	shalt  }
0x55: {  	_ =	shalt  }
0x56: {  	_ =	shalt  }
0x57: {  	_ =	shalt  }
0x58: {  	_ =	shalt  }
0x59: {  	_ =	shalt  }
0x5a: {  	_ =	shalt  }
0x5b: {  	_ =	shalt  }
0x5c: {  	_ =	shalt  }
0x5d: {  	_ =	shalt  }
0x5e: {  	_ =	shalt  }
0x5f: {  	_ =	shalt  }
0x60: {  	_ =	shalt  }
0x61: {  	_ =	shalt  }
0x62: {  	_ =	shalt  }
0x63: {  	_ =	shalt  }
0x64: {  	_ =	shalt  }
0x65: {  	_ =	shalt  }
0x66: {  	_ =	shalt  }
0x67: {  	_ =	shalt  }
0x68: {  	_ =	shalt  }
0x69: {  	_ =	shalt  }
0x6a: {  	_ =	shalt  }
0x6b: {  	_ =	shalt  }
0x6c: {  	_ =	shalt  }
0x6d: {  	_ =	shalt  }
0x6e: {  	_ =	shalt  }
0x6f: {  	_ =	shalt  }
0x70: {  	_ =	shalt  }
0x71: {  	_ =	shalt  }
0x72: {  	_ =	shalt  }
0x73: {  	_ =	shalt  }
0x74: {  	_ =	shalt  }
0x75: {  	_ =	shalt  }
0x76: {  	_ =	shalt  }
0x77: {  	_ =	shalt  }
0x78: {  	_ =	shalt  }
0x79: {  	_ =	shalt  }
0x7a: {  	_ =	shalt  }
0x7b: {  	_ =	shalt  }
0x7c: {  	_ =	shalt  }
0x7d: {  	_ =	shalt  }
0x7e: {  	_ =	shalt  }
0x7f: {  	_ =	shalt  }
0x80: {  	_ =	shalt  }
0x81: {  	_ =	shalt  }
0x82: {  	_ =	shalt  }
0x83: {  	_ =	shalt  }
0x84: {  	_ =	shalt  }
0x85: {  	_ =	shalt  }
0x86: {  	_ =	shalt  }
0x87: {  	_ =	shalt  }
.Lfunc_end0:
.L_simem_size_0:
called_computation_lowered:
.L_overlay_start_0:
0x88: {  	s2 =	sld [smem:$0x3FD9]  }
0x89: {  	s3 =	sld [smem:$0x3FFE];
	_ =	sdelay $0x1  }
0x8a: {  	s1 =	srdreg.scid  }
0x8b: {  	s0 =	sand.u32 $0x1, s1  }
0x8c: {  	s17 =	sshll.u32 s0, $0xA;
	s2 =	sadd.s32 s3, s2  }
0x8d: {  	s2 =	sadd.s32 s2, s17  }
0x8e: {  	[smem:$0x3FC6] =	sst s2  }
0x8f: {  	_ = 	snop  }
0x90: {  	s2 =	sld [smem:$0x3FC8]  }
0x91: {  	s18 =	sld [smem:$0x3FD0];
	(tm) =	ssettm $0x1  }
0x92: {  	s4 =	sld [smem:$0x3FFB];
	_ =	sdelay $0x3  }
0x93: {  	_ =	strace s4  }
0x94: {  	s4 =	sld [smem:$0x3FFC];
	_ =	sdelay $0x3  }
0x95: {  	_ =	strace s4  }
0x96: {  	s4 =	sld [smem:$0x3FFD];
	_ =	sdelay $0x3  }
0x97: {  	_ =	strace s4  }
0x98: {  	_ =	strace $0x8FFFFFFF  }
0x99: {  	s19 =	sld [smem:$0x3FDB];
	_ =	sdelay $0x1  }
0x9a: {  	s5 =	simm.s32 $_scs_section_size  }
0x9b: {  	s6 =	simm.s32 $_size__tile_overlayer_lowered;
	s7 =	simm.s32 $_tile_overlayer_lowered  }
0x9c: {  	s22 =	simm.s32 $0x1BFF;
	s21 =	sshll.u32 s7, $0x1;
	s4 =	sadd.s32 s5, s19  }
0x9d: {  	s8 =	simm.s32 $0x0;
	s20 =	sshll.u32 s6, $0x1;
	s6 =	sadd.s32 s21, s4  }
0x9e: {  	[timem:s8], [sflag:s22] =	dma.local [hbm:s6], s20  }
0x9f: {  	_ =	swait.ge [sflag:s22], s20  }
0xa0: {  	s5 =	ssub.s32 $0x0, s20;
	[sflag:s22] =	ssyncset.done $0x0  }
0xa1: {  	[sflag:s22] =	ssyncadd.s32 s5;
	_ =	sdelay $0x1  }
0xa2: {  	s23 =	simm.s32 $0x1B8B  }
0xa3: {  	_ =	swait.ge [sflag:s23], $0x1  }
0xa4: {  	[sflag:s23] =	ssyncset.done $0x0  }
0xa5: {  	s25 =	simm.s32 $0x1B8E;
	s24 =	sld [smem:$0x3FFE];
	[sflag:s23] =	ssyncadd.s32 $0xFFFFFFFF  }
0xa6: {  	s26 =	simm.s32 $execute0_lowered;
	[smem:$0x3FD2] =	sst s25  }
0xa7: {  	s6 =	sshll.u32 s26, $0x1;
	_ =	strace $0x80000046;
	[dreg:$0x1] =	wrdreg $0xFFFFFFFF  }
0xa8: {  	s28 =	simm.s32 $_size_execute0_lowered;
	s4 =	sadd.s32 s4, s6;
	[dreg:$0x0] =	wrdreg $0x0  }
0xa9: {  	s6 =	sshll.u32 s28, $0x1;
	[dreg:$0x2] =	wrdreg s4  }
0xaa: {  	[dreg:$0x3] =	wrdreg s6  }
0xab: {  	[dreg:$0x4] =	wrdreg $0xC0  }
0xac: {  	_ =	task [dreg:s8], $0x5FFFF  }
0xad: {  	[dreg:$0x1] =	wrdreg $0xFFFFFFFF  }
0xae: {  	[dreg:$0x0] =	wrdreg $0x60  }
0xaf: {  	[dreg:$0x2] =	wrdreg s2  }
0xb0: {  	[dreg:$0x3] =	wrdreg s24  }
0xb1: {  	[dreg:$0x4] =	wrdreg s18  }
0xb2: {  	[dreg:$0x5] =	wrdreg $0xF0000  }
0xb3: {  	[dreg:$0x6] =	wrdreg $0x9  }
0xb4: {  	_ =	task.clear_ibuf [dreg:s8], $0x7FFFF;
	_ =	strace $0x90000046  }
0xb5: {  	s29 =	simm.s32 $0x9;
	_ =	strace $0x80000048  }
0xb6: {  	_ =	swait.ge [sflag:s29], $0x1  }
0xb7: {  	[sflag:s29] =	ssyncadd.s32 $0xFFFFFFFF  }
0xb8: {  	_ =	strace $0x90000048  }
0xb9: {  	_ =	sfence  }
0xba: {  	s30 =	sld [smem:$0x0];
	_ =	sdelay $0x2  }
0xbb: {  	s31 =	sshll.u32 s1, $0xD;
	s1 =	sshrl.u32 s1, $0x2  }
0xbc: {  	s3 =	sand.u32 $0x4000, s31;
	s1 =	sadd.s32 s1, s30  }
0xbd: {  	s0 =	sor.u32 s3, s0;
	s1 =	sshll.u32 s1, $0x11  }
0xbe: {  	s0 =	sor.u32 s1, s0  }
0xbf: {  	s0 =	sadd.s32 $0x8F2B, s0  }
0xc0: {  	[sflag:s0] =	ssyncadd.remote.s32 $0x1  }
0xc1: {  	_ =	sfence.sel $0xFFFF  }
0xc2: {  	[dreg:$0x0] =	wrdreg $0xFFFFFFFF;
	(pc) =	sbr.abs _section_cstart, $3  }
0xc3: {  	[dreg:$0x1] =	wrdreg $0xFFFFFFFF  }
0xc4: {  	_ =	task.clear_ibuf [dreg:s8], $0x2FFFF;
	_ =	strace $0x9FFFFFFF  }
0xc5: {  	(tm) =	ssettm $0x7FFFFFFF  }
tec
execute0_lowered:
.L_overlay_start_1:
0x0: {  	(tag) =	ssettag $0x1  }
0x1: {  	s0 =	rddreg [dreg:$0x0]  }
0x2: {  	s1 =	rddreg [dreg:$0x1];
	s2 =	srdreg.scid  }
0x3: {  	s13 =	stileid.u32;
	s4 =	rddreg [dreg:$0x2]  }
0x4: {  	s28 =	simm.s32 $0x7800;
	s29 =	simm.s32 $0x1;
	s31 =	simm.s32 $0xA000  }
0x5: {  	s30 =	simm.s32 $0x6;
	s5 =	sand.u32 $0x1, s2;
	s3 =	sshll.u32 s13, $0x1  }
0x6: {  	s2 =	rddreg [dreg:$0x3];
	s14 =	sshll.u32 s13, $0x10;
	s10 =	sshll.u32 s13, $0xD  }
0x7: {  	s11 =	sshll.u32 s13, $0x6;
	s22 =	smul.u32 $0x32000, s13;
	s6 =	sor.u32 s5, s3  }
0x8: {  	s3 =	simm.s32 $0x0;
	s8 =	ssub.s32 $0x2, s5;
	s5 =	smul.u32 $0x19000, s5  }
0x9: {  	s0 =	sadd.s32 s0, s10;
	s15 =	sor.u32 $0x1C0B, s11;
	s7 =	smul.u32 $0x500, s6  }
0xa: {  	s10 =	simm.s32 $0x0;
	[smem:$0x7FF] =	sst s3;
	s9 =	smul.u32 $0x19000, s6  }
0xb: {  	s12 =	sshrl.u32 s8, $0x1;
	s6 =	smul.u32 $0xC8000, s6;
	_ =	strace $0x80000047  }
0xc: {  	s8 =	ssub.s32 s8, s12;
	s12 =	sadd.s32 s14, s2;
	[dreg:$0x5] =	wrdreg s0  }
0xd: {  	[dreg:$0x6] =	wrdreg s15;
	s1 =	sadd.s32 s7, s1;
	s7 =	sadd.s32 s4, s9  }
0xe: {  	s17 =	sshrl.u32 s6, $0x3;
	s6 =	simm.s32 $0x8;
	s9 =	simm.s32 $0xA  }
0xf: {  	s16 =	sadd.s32 $0x400, s1;
	s18 =	sadd.s32 $0x500, s7;
	s19 =	sadd.s32 $0xA00, s7  }
0x10: {  	s0 =	sadd.s32 s4, s17;
	s20 =	sadd.s32 $0xF00, s7;
	[dreg:$0x7] =	wrdreg s16  }
0x11: {  	s1 =	sadd.s32 s22, s4;
	s17 =	smax.u32 s8, $0x1;
	[dreg:$0x8] =	wrdreg s18  }
0x12: {  	s22 =	simm.s32 $0x50;
	s4 =	simm.s32 $0x7;
	[dreg:$0x9] =	wrdreg s19  }
0x13: {  	s8 =	simm.s32 $0x9;
	[dreg:$0xa] =	wrdreg s20;
	s21 =	sadd.s32 $0x1400, s0  }
0x14: {  	s23 =	sadd.s32 $0x17700, s0;
	s24 =	sadd.s32 $0x17C00, s0;
	s25 =	sadd.s32 $0x18100, s0  }
0x15: {  	s15 =	sadd.s32 $0x18600, s0;
	s16 =	sadd.s32 $0x18B00, s0;
	[dreg:$0xb] =	wrdreg s21  }
0x16: {  	s26 =	sadd.s32 s5, s1;
	s19 =	sshrl.u32 s12, $0x3;
	[dreg:$0xc] =	wrdreg s23  }
0x17: {  	s20 =	simm.s32 $0xC;
	s1 =	simm.s32 $0x2;
	[dreg:$0xd] =	wrdreg s24  }
0x18: {  	s0 =	simm.s32 $0x4;
	s5 =	simm.s32 $0x5;
	[dreg:$0xe] =	wrdreg s25  }
0x19: {  	s18 =	sadd.s32 $0x1900, s26;
	s21 =	simm.s32 $0xB;
	s23 =	simm.s32 $0x2800  }
0x1a: {  	s25 =	simm.s32 $0x5000;
	s24 =	simm.s32 $0xC800;
	s26 =	simm.s32 $0x3  }
.LBB2_1:
0x1b: {  	s11 =	rddreg [dreg:$0x5]  }
0x1c: {  	s12 =	rddreg [dreg:$0x6]  }
0x1d: {  	[spmem:s19], [sflag:s12] =	dma.local [hbm:s11], $0x2000  }
0x1e: {  	s11 =	rddreg [dreg:$0x7]  }
0x1f: {  	[tilespmem:s3], [sflag:$0xC] =	stream.linear.gather [hbm4b:s11+s3], $0x2800, $0x38;
	[tilespmem:$0x1F000] =	vst v63  }
0x20: {  	_ =	swait.ge [sflag:s20], $0x2800  }
0x21: {  	[sflag:s20] =	ssyncset.done $0x0  }
0x22: {  	[sflag:s20] =	ssyncadd.s32 $0xFFFFD800  }
0x23: {  	_ =	swait.ge [sflag:s21], $0x2000  }
0x24: {  	[sflag:s21] =	ssyncset.done $0x0  }
0x25: {  	[sflag:s21] =	ssyncadd.s32 $0xFFFFE000  }
0x26: {  	[bflag:$0x0] =	sbarrier.arrive $0xFFFF  }
0x27: {  	[tilespmem:s23], [sflag:$0x1] =	stream.indirect.gather [spmem:s2], $0x80, s3, s22, $0xb8;
	[tilespmem:$0x1F000] =	vst v63  }
0x28: {  	s12 =	simm.s32 $0x80  }
0x29: {  	[tilespmem:s25], [sflag:$0x2] =	stream.indirect.gather [spmem:s2], $0x80, s12, s22, $0xb8;
	[tilespmem:$0x1F000] =	vst v63  }
0x2a: {  	s13 =	simm.s32 $0x100  }
0x2b: {  	[tilespmem:s28], [sflag:$0x3] =	stream.indirect.gather [spmem:s2], $0x80, s13, s22, $0xb8;
	[tilespmem:$0x1F000] =	vst v63  }
0x2c: {  	_ =	swait.ge [sflag:s29], $0x2800  }
0x2d: {  	[sflag:s29] =	ssyncset.done $0x0  }
0x2e: {  	[sflag:s29] =	ssyncadd.s32 $0xFFFFD800  }
0x2f: {  	[hbm4b:s7+s3] =	stream.linear.scatter [tilespmem:s23], [sflag:$0x6], $0x2800, $0x38;
	[tilespmem:$0x1F000] =	vst v63  }
0x30: {  	s14 =	simm.s32 $0x180  }
0x31: {  	[tilespmem:s31], [sflag:$0x4] =	stream.indirect.gather [spmem:s2], $0x80, s14, s22, $0xb8;
	[tilespmem:$0x1F000] =	vst v63  }
0x32: {  	_ =	swait.ge [sflag:s1], $0x2800  }
0x33: {  	[sflag:s1] =	ssyncset.done $0x0  }
0x34: {  	s12 =	rddreg [dreg:$0x8];
	[sflag:s1] =	ssyncadd.s32 $0xFFFFD800  }
0x35: {  	[hbm4b:s12+s3] =	stream.linear.scatter [tilespmem:s25], [sflag:$0x7], $0x2800, $0x38;
	[tilespmem:$0x1F000] =	vst v63  }
0x36: {  	s13 =	simm.s32 $0x200  }
0x37: {  	[tilespmem:s24], [sflag:$0x5] =	stream.indirect.gather [spmem:s2], $0x80, s13, s22, $0xb8;
	[tilespmem:$0x1F000] =	vst v63  }
0x38: {  	_ =	swait.ge [sflag:s26], $0x2800  }
0x39: {  	[sflag:s26] =	ssyncset.done $0x0  }
0x3a: {  	s14 =	rddreg [dreg:$0x9];
	[sflag:s26] =	ssyncadd.s32 $0xFFFFD800  }
0x3b: {  	[hbm4b:s14+s3] =	stream.linear.scatter [tilespmem:s28], [sflag:$0x8], $0x2800, $0x38;
	[tilespmem:$0x1F000] =	vst v63  }
0x3c: {  	_ =	swait.ge [sflag:s30], $0x2800  }
0x3d: {  	[sflag:s30] =	ssyncset.done $0x0  }
0x3e: {  	s12 =	simm.s32 $0x280;
	[sflag:s30] =	ssyncadd.s32 $0xFFFFD800  }
0x3f: {  	[tilespmem:s23], [sflag:$0x1] =	stream.indirect.gather [spmem:s2], $0x80, s12, s22, $0xb8;
	[tilespmem:$0x1F000] =	vst v63  }
0x40: {  	_ =	swait.ge [sflag:s0], $0x2800  }
0x41: {  	[sflag:s0] =	ssyncset.done $0x0  }
0x42: {  	s13 =	rddreg [dreg:$0xa];
	[sflag:s0] =	ssyncadd.s32 $0xFFFFD800  }
0x43: {  	[hbm4b:s13+s3] =	stream.linear.scatter [tilespmem:s31], [sflag:$0x9], $0x2800, $0x38;
	[tilespmem:$0x1F000] =	vst v63  }
0x44: {  	_ =	swait.ge [sflag:s4], $0x2800  }
0x45: {  	[sflag:s4] =	ssyncset.done $0x0  }
0x46: {  	s14 =	simm.s32 $0x300;
	[sflag:s4] =	ssyncadd.s32 $0xFFFFD800  }
0x47: {  	[tilespmem:s25], [sflag:$0x2] =	stream.indirect.gather [spmem:s2], $0x80, s14, s22, $0xb8;
	[tilespmem:$0x1F000] =	vst v63  }
0x48: {  	_ =	swait.ge [sflag:s5], $0x2800  }
0x49: {  	[sflag:s5] =	ssyncset.done $0x0  }
0x4a: {  	s12 =	rddreg [dreg:$0xb];
	[sflag:s5] =	ssyncadd.s32 $0xFFFFD800  }
0x4b: {  	[hbm4b:s12+s3] =	stream.linear.scatter [tilespmem:s24], [sflag:$0xA], $0x2800, $0x38;
	[tilespmem:$0x1F000] =	vst v63  }
0x4c: {  	_ =	swait.ge [sflag:s6], $0x2800  }
0x4d: {  	[sflag:s6] =	ssyncset.done $0x0  }
0x4e: {  	s13 =	simm.s32 $0x380;
	[sflag:s6] =	ssyncadd.s32 $0xFFFFD800  }
0x4f: {  	[tilespmem:s28], [sflag:$0x3] =	stream.indirect.gather [spmem:s2], $0x80, s13, s22, $0xb8;
	[tilespmem:$0x1F000] =	vst v63  }
0x50: {  	_ =	swait.ge [sflag:s29], $0x2800  }
0x51: {  	[sflag:s29] =	ssyncset.done $0x0  }
0x52: {  	[sflag:s29] =	ssyncadd.s32 $0xFFFFD800  }
0x53: {  	[hbm4b:s18+s3] =	stream.linear.scatter [tilespmem:s23], [sflag:$0x6], $0x2800, $0x38;
	[tilespmem:$0x1F000] =	vst v63  }
0x54: {  	_ =	swait.ge [sflag:s8], $0x2800  }
0x55: {  	[sflag:s8] =	ssyncset.done $0x0  }
0x56: {  	s14 =	simm.s32 $0x400;
	[sflag:s8] =	ssyncadd.s32 $0xFFFFD800  }
0x57: {  	[tilespmem:s31], [sflag:$0x4] =	stream.indirect.gather [spmem:s2], $0x80, s14, s22, $0xb8;
	[tilespmem:$0x1F000] =	vst v63  }
0x58: {  	_ =	swait.ge [sflag:s1], $0x2800  }
0x59: {  	[sflag:s1] =	ssyncset.done $0x0  }
0x5a: {  	s12 =	sadd.s32 $0x500, s18;
	[sflag:s1] =	ssyncadd.s32 $0xFFFFD800  }
0x5b: {  	[hbm4b:s12+s3] =	stream.linear.scatter [tilespmem:s25], [sflag:$0x7], $0x2800, $0x38;
	[tilespmem:$0x1F000] =	vst v63  }
0x5c: {  	_ =	swait.ge [sflag:s9], $0x2800  }
0x5d: {  	[sflag:s9] =	ssyncset.done $0x0  }
0x5e: {  	s13 =	simm.s32 $0x480;
	[sflag:s9] =	ssyncadd.s32 $0xFFFFD800  }
0x5f: {  	[tilespmem:s24], [sflag:$0x5] =	stream.indirect.gather [spmem:s2], $0x80, s13, s22, $0xb8;
	[tilespmem:$0x1F000] =	vst v63  }
0x60: {  	_ =	swait.ge [sflag:s26], $0x2800  }
0x61: {  	[sflag:s26] =	ssyncset.done $0x0  }
0x62: {  	s14 =	sadd.s32 $0xA00, s18;
	[sflag:s26] =	ssyncadd.s32 $0xFFFFD800  }
0x63: {  	[hbm4b:s14+s3] =	stream.linear.scatter [tilespmem:s28], [sflag:$0x8], $0x2800, $0x38;
	[tilespmem:$0x1F000] =	vst v63  }
0x64: {  	_ =	swait.ge [sflag:s30], $0x2800  }
0x65: {  	[sflag:s30] =	ssyncset.done $0x0  }
0x66: {  	s12 =	simm.s32 $0x500;
	[sflag:s30] =	ssyncadd.s32 $0xFFFFD800  }
0x67: {  	[tilespmem:s23], [sflag:$0x1] =	stream.indirect.gather [spmem:s2], $0x80, s12, s22, $0xb8;
	[tilespmem:$0x1F000] =	vst v63  }
0x68: {  	_ =	swait.ge [sflag:s0], $0x2800  }
0x69: {  	[sflag:s0] =	ssyncset.done $0x0  }
0x6a: {  	s13 =	sadd.s32 $0xF00, s18;
	[sflag:s0] =	ssyncadd.s32 $0xFFFFD800  }
0x6b: {  	[hbm4b:s13+s3] =	stream.linear.scatter [tilespmem:s31], [sflag:$0x9], $0x2800, $0x38;
	[tilespmem:$0x1F000] =	vst v63  }
0x6c: {  	_ =	swait.ge [sflag:s4], $0x2800  }
0x6d: {  	[sflag:s4] =	ssyncset.done $0x0  }
0x6e: {  	s14 =	simm.s32 $0x580;
	[sflag:s4] =	ssyncadd.s32 $0xFFFFD800  }
0x6f: {  	[tilespmem:s25], [sflag:$0x2] =	stream.indirect.gather [spmem:s2], $0x80, s14, s22, $0xb8;
	[tilespmem:$0x1F000] =	vst v63  }
0x70: {  	_ =	swait.ge [sflag:s5], $0x2800  }
0x71: {  	s11 =	simm.s32 $0xA00;
	[sflag:s5] =	ssyncset.done $0x0  }
0x72: {  	s12 =	sadd.s32 $0x1900, s18;
	s13 =	sadd.s32 $0x1400, s18;
	[sflag:s5] =	ssyncadd.s32 $0xFFFFD800  }
.LBB2_2:
0x73: {  	[hbm4b:s13+s3] =	stream.linear.scatter [tilespmem:s24], [sflag:$0xA], $0x2800, $0x38;
	[tilespmem:$0x1F000] =	vst v63  }
0x74: {  	s13 =	smov.u32 s11  }
0x75: {  	p0 =	sne.s32 s11, $0x8200;
	s11 =	sadd.s32 $0xA00, s11;
	_ =	swait.ge [sflag:s6], $0x2800  }
0x76: {  	s13 =	sshra.s32 s13, $0x2;
	[sflag:s6] =	ssyncset.done $0x0  }
0x77: {  	s14 =	sadd.s32 $0x380, s13;
	[sflag:s6] =	ssyncadd.s32 $0xFFFFD800  }
0x78: {  	[tilespmem:s28], [sflag:$0x3] =	stream.indirect.gather [spmem:s2], $0x80, s14, s22, $0xb8;
	[tilespmem:$0x1F000] =	vst v63  }
0x79: {  	_ =	swait.ge [sflag:s29], $0x2800  }
0x7a: {  	[sflag:s29] =	ssyncset.done $0x0  }
0x7b: {  	[sflag:s29] =	ssyncadd.s32 $0xFFFFD800  }
0x7c: {  	[hbm4b:s12+s3] =	stream.linear.scatter [tilespmem:s23], [sflag:$0x6], $0x2800, $0x38;
	[tilespmem:$0x1F000] =	vst v63  }
0x7d: {  	_ =	swait.ge [sflag:s8], $0x2800  }
0x7e: {  	[sflag:s8] =	ssyncset.done $0x0  }
0x7f: {  	s14 =	sadd.s32 $0x400, s13;
	[sflag:s8] =	ssyncadd.s32 $0xFFFFD800  }
0x80: {  	[tilespmem:s31], [sflag:$0x4] =	stream.indirect.gather [spmem:s2], $0x80, s14, s22, $0xb8;
	[tilespmem:$0x1F000] =	vst v63  }
0x81: {  	_ =	swait.ge [sflag:s1], $0x2800  }
0x82: {  	[sflag:s1] =	ssyncset.done $0x0  }
0x83: {  	s14 =	sadd.s32 $0x500, s12;
	[sflag:s1] =	ssyncadd.s32 $0xFFFFD800  }
0x84: {  	[hbm4b:s14+s3] =	stream.linear.scatter [tilespmem:s25], [sflag:$0x7], $0x2800, $0x38;
	[tilespmem:$0x1F000] =	vst v63  }
0x85: {  	_ =	swait.ge [sflag:s9], $0x2800  }
0x86: {  	[sflag:s9] =	ssyncset.done $0x0  }
0x87: {  	s14 =	sadd.s32 $0x480, s13;
	[sflag:s9] =	ssyncadd.s32 $0xFFFFD800  }
0x88: {  	[tilespmem:s24], [sflag:$0x5] =	stream.indirect.gather [spmem:s2], $0x80, s14, s22, $0xb8;
	[tilespmem:$0x1F000] =	vst v63  }
0x89: {  	_ =	swait.ge [sflag:s26], $0x2800  }
0x8a: {  	[sflag:s26] =	ssyncset.done $0x0  }
0x8b: {  	s14 =	sadd.s32 $0xA00, s12;
	[sflag:s26] =	ssyncadd.s32 $0xFFFFD800  }
0x8c: {  	[hbm4b:s14+s3] =	stream.linear.scatter [tilespmem:s28], [sflag:$0x8], $0x2800, $0x38;
	[tilespmem:$0x1F000] =	vst v63  }
0x8d: {  	_ =	swait.ge [sflag:s30], $0x2800  }
0x8e: {  	[sflag:s30] =	ssyncset.done $0x0  }
0x8f: {  	s14 =	sadd.s32 $0x500, s13;
	[sflag:s30] =	ssyncadd.s32 $0xFFFFD800  }
0x90: {  	[tilespmem:s23], [sflag:$0x1] =	stream.indirect.gather [spmem:s2], $0x80, s14, s22, $0xb8;
	[tilespmem:$0x1F000] =	vst v63  }
0x91: {  	_ =	swait.ge [sflag:s0], $0x2800  }
0x92: {  	[sflag:s0] =	ssyncset.done $0x0  }
0x93: {  	s14 =	sadd.s32 $0xF00, s12;
	[sflag:s0] =	ssyncadd.s32 $0xFFFFD800  }
0x94: {  	[hbm4b:s14+s3] =	stream.linear.scatter [tilespmem:s31], [sflag:$0x9], $0x2800, $0x38;
	[tilespmem:$0x1F000] =	vst v63  }
0x95: {  	_ =	swait.ge [sflag:s4], $0x2800  }
0x96: {  	[sflag:s4] =	ssyncset.done $0x0  }
.Ltmp0:
0x97: {  	s13 =	sadd.s32 $0x580, s13;
	[sflag:s4] =	ssyncadd.s32 $0xFFFFD800;
	(pc) =	sbr.rel @p0 .LBB2_2-.Ltmp0, $4  }
0x98: {  	[tilespmem:s25], [sflag:$0x2] =	stream.indirect.gather [spmem:s2], $0x80, s13, s22, $0xb8;
	[tilespmem:$0x1F000] =	vst v63  }
0x99: {  	_ =	swait.ge [sflag:s5], $0x2800  }
0x9a: {  	[sflag:s5] =	ssyncset.done $0x0  }
0x9b: {  	s13 =	sadd.s32 $0x1400, s12;
	s12 =	sadd.s32 $0x1900, s12;
	[sflag:s5] =	ssyncadd.s32 $0xFFFFD800  }
0x9c: {  	[hbm4b:s13+s3] =	stream.linear.scatter [tilespmem:s24], [sflag:$0xA], $0x2800, $0x38;
	[tilespmem:$0x1F000] =	vst v63  }
0x9d: {  	_ =	swait.ge [sflag:s6], $0x2800  }
0x9e: {  	[sflag:s6] =	ssyncset.done $0x0  }
0x9f: {  	s11 =	simm.s32 $0x2680;
	[sflag:s6] =	ssyncadd.s32 $0xFFFFD800  }
0xa0: {  	[tilespmem:s28], [sflag:$0x3] =	stream.indirect.gather [spmem:s2], $0x80, s11, s22, $0xb8;
	[tilespmem:$0x1F000] =	vst v63  }
0xa1: {  	_ =	swait.ge [sflag:s29], $0x2800  }
0xa2: {  	[sflag:s29] =	ssyncset.done $0x0  }
0xa3: {  	s13 =	rddreg [dreg:$0xc];
	[sflag:s29] =	ssyncadd.s32 $0xFFFFD800  }
0xa4: {  	[hbm4b:s13+s3] =	stream.linear.scatter [tilespmem:s23], [sflag:$0x6], $0x2800, $0x38;
	[tilespmem:$0x1F000] =	vst v63  }
0xa5: {  	_ =	swait.ge [sflag:s8], $0x2800  }
0xa6: {  	[sflag:s8] =	ssyncset.done $0x0  }
0xa7: {  	s14 =	simm.s32 $0x2700;
	[sflag:s8] =	ssyncadd.s32 $0xFFFFD800  }
0xa8: {  	[tilespmem:s31], [sflag:$0x4] =	stream.indirect.gather [spmem:s2], $0x80, s14, s22, $0xb8;
	[tilespmem:$0x1F000] =	vst v63  }
0xa9: {  	_ =	swait.ge [sflag:s1], $0x2800  }
0xaa: {  	[sflag:s1] =	ssyncset.done $0x0  }
0xab: {  	s12 =	rddreg [dreg:$0xd];
	[sflag:s1] =	ssyncadd.s32 $0xFFFFD800  }
0xac: {  	[hbm4b:s12+s3] =	stream.linear.scatter [tilespmem:s25], [sflag:$0x7], $0x2800, $0x38;
	[tilespmem:$0x1F000] =	vst v63  }
0xad: {  	_ =	swait.ge [sflag:s9], $0x2800  }
0xae: {  	[sflag:s9] =	ssyncset.done $0x0  }
0xaf: {  	s13 =	simm.s32 $0x2780;
	[sflag:s9] =	ssyncadd.s32 $0xFFFFD800  }
0xb0: {  	[tilespmem:s24], [sflag:$0x5] =	stream.indirect.gather [spmem:s2], $0x80, s13, s22, $0xb8;
	[tilespmem:$0x1F000] =	vst v63  }
0xb1: {  	_ =	swait.ge [sflag:s26], $0x2800  }
0xb2: {  	[sflag:s26] =	ssyncset.done $0x0  }
0xb3: {  	s14 =	rddreg [dreg:$0xe];
	[sflag:s26] =	ssyncadd.s32 $0xFFFFD800  }
0xb4: {  	[hbm4b:s14+s3] =	stream.linear.scatter [tilespmem:s28], [sflag:$0x8], $0x2800, $0x38;
	[tilespmem:$0x1F000] =	vst v63  }
0xb5: {  	_ =	swait.ge [sflag:s0], $0x2800  }
0xb6: {  	[sflag:s0] =	ssyncset.done $0x0  }
0xb7: {  	[sflag:s0] =	ssyncadd.s32 $0xFFFFD800  }
0xb8: {  	[hbm4b:s15+s3] =	stream.linear.scatter [tilespmem:s31], [sflag:$0x9], $0x2800, $0x38;
	[tilespmem:$0x1F000] =	vst v63  }
0xb9: {  	_ =	swait.ge [sflag:s5], $0x2800  }
0xba: {  	[sflag:s5] =	ssyncset.done $0x0  }
0xbb: {  	[sflag:s5] =	ssyncadd.s32 $0xFFFFD800  }
0xbc: {  	[hbm4b:s16+s3] =	stream.linear.scatter [tilespmem:s24], [sflag:$0xA], $0x2800, $0x38;
	[tilespmem:$0x1F000] =	vst v63  }
0xbd: {  	_ =	swait.ge [sflag:s30], $0x2800  }
0xbe: {  	[sflag:s30] =	ssyncset.done $0x0  }
0xbf: {  	[sflag:s30] =	ssyncadd.s32 $0xFFFFD800  }
0xc0: {  	_ =	swait.ge [sflag:s4], $0x2800  }
0xc1: {  	[sflag:s4] =	ssyncset.done $0x0  }
0xc2: {  	[sflag:s4] =	ssyncadd.s32 $0xFFFFD800  }
0xc3: {  	_ =	swait.ge [sflag:s6], $0x2800  }
0xc4: {  	[sflag:s6] =	ssyncset.done $0x0  }
0xc5: {  	s10 =	sadd.s32 $0x1, s10;
	[sflag:s6] =	ssyncadd.s32 $0xFFFFD800  }
0xc6: {  	p0 =	sne.s32 s10, s17;
	_ =	swait.ge [sflag:s8], $0x2800  }
.Ltmp1:
0xc7: {  	[sflag:s8] =	ssyncset.done $0x0;
	(pc) =	sbr.rel @p0 .LBB2_1-.Ltmp1, $4  }
0xc8: {  	[sflag:s8] =	ssyncadd.s32 $0xFFFFD800  }
0xc9: {  	_ =	swait.ge [sflag:s9], $0x2800  }
0xca: {  	[sflag:s9] =	ssyncset.done $0x0  }
0xcb: {  	[sflag:s9] =	ssyncadd.s32 $0xFFFFD800  }
0xcc: {  	_ =	sfence.sel $0x180000  }
0xcd: {  	[bflag:$0x0] =	sbarrier.arrive $0xFFFF  }
0xce: {  	_ =	strace $0x90000047  }
0xcf: {  	s0 =	stileid.u32;
	[bflag:$0x2] =	sbarrier.arrive $0xFFFF  }
0xd0: {  	p0 =	sne.s32 s0, $0x0;
	s0 =	rddreg [dreg:$0x4]  }
0xd1: {  	s0 =	sadd.s32 @!p0 $0x100000, s0  }
0xd2: {  	[sflag:s0] =	ssyncadd.tile.s32 @!p0 $0x1;
	_ =	shalt  }
.Lfunc_end2:
_tile_overlayer_lowered:
.L_overlay_start_2:
0xd3: {  	(tag) =	ssettag $0x2  }
0xd4: {  	s0 =	rddreg [dreg:$0x0];
	s2 =	stileid.u32  }
0xd5: {  	s1 =	rddreg [dreg:$0x1];
	p0 =	sne.s32 s2, $0x0  }
0xd6: {  	s3 =	rddreg [dreg:$0x2];
	[bflag:$0x3] =	sbarrier.arrive $0xFFFF;
	s2 =	simm.s32 @!p0 $0x1C0C  }
0xd7: {  	[timem:s3], [sflag:s2] =	dma.local @!p0 [hbm:s0], s1  }
0xd8: {  	s0 =	simm.s32 @!p0 $0xC  }
0xd9: {  	_ =	swait.ge @!p0 [sflag:s0], s1  }
0xda: {  	s1 =	ssub.s32 @!p0 $0x0, s1;
	[sflag:s0] =	ssyncset.done @!p0 $0x0  }
0xdb: {  	[sflag:s0] =	ssyncadd.s32 @!p0 s1  }
0xdc: {  	[bflag:$0x3] =	sbarrier.arrive $0xFFFF  }
0xdd: {  	_ =	shalt  }

</sc_bundles>
